<compile_context>
chip_gen: v7x
topology: tpu7x:2x2x1
jax: 0.10.2.dev20260603
libtpu: 0.0.44.dev20260713+nightly
codegen_flags: <defaults>
</compile_context>

<pallas_src>
import functools

import jax
import jax.numpy as jnp
from jax import lax
from jax.experimental import pallas as pl
from jax.experimental.pallas import tpu as pltpu
from jax.experimental.pallas import tpu_sc as plsc

N, F, H, C, Q = 10000, 128, 16, 16, 2048

BM1 = 400
SUB = 5
CW = N // SUB
BR2 = 256


def _matmul_small_kernel(a_ref, b_ref, o_ref):
    o_ref[...] = jnp.dot(a_ref[...], b_ref[...],
                         preferred_element_type=jnp.float32)


def _layer1_kernel(adj_ref, xw_ref, h_ref):
    acc = jnp.dot(adj_ref[...], xw_ref[...],
                  preferred_element_type=jnp.float32)
    h_ref[...] = jnp.maximum(acc, 0.0)


def _layer2_kernel(g_ref, h_ref, w1_ref, out_ref):
    hr = jnp.dot(g_ref[...], h_ref[...], preferred_element_type=jnp.float32)
    out_ref[...] = jnp.dot(hr, w1_ref[...],
                           preferred_element_type=jnp.float32)


def _sc_gather(adj16, idx):
    info = plsc.get_sparse_core_info()
    nw = info.num_cores * info.num_subcores
    rpw = Q // nw
    nchunk = rpw // 16
    ntask = nchunk * SUB
    mesh = plsc.VectorSubcoreMesh(core_axis_name="c", subcore_axis_name="s")

    @functools.partial(
        pl.kernel,
        mesh=mesh,
        compiler_params=pltpu.CompilerParams(use_tc_tiling_on_sc=False),
        out_type=jax.ShapeDtypeStruct((Q * SUB, CW), jnp.float32),
        scratch_types=[
            pltpu.VMEM((rpw,), jnp.int32),
            pltpu.VMEM((2, 16, CW), jnp.float32),
            pltpu.SemaphoreType.DMA((2,)),
            pltpu.SemaphoreType.DMA((2,)),
        ],
    )
    def k(adj_hbm, idx_hbm, out_hbm, idx_v, buf, gsem, ssem):
        wid = lax.axis_index("s") * info.num_cores + lax.axis_index("c")
        base = wid * rpw
        pltpu.sync_copy(idx_hbm.at[pl.ds(base, rpw)], idx_v)
        iota16 = lax.broadcasted_iota(jnp.int32, (16,), 0)

        def src_of(t):
            c, j = divmod(t, SUB)
            chunk = idx_v[pl.ds(c * 16, 16)]
            return chunk * SUB + j

        def dst_of(t):
            c, j = divmod(t, SUB)
            return (base + c * 16 + iota16) * SUB + j

        def gather(t, slot):
            return pltpu.make_async_copy(adj_hbm.at[src_of(t)],
                                         buf.at[slot], gsem.at[slot])

        def scatter(t, slot):
            return pltpu.make_async_copy(buf.at[slot],
                                         out_hbm.at[dst_of(t)],
                                         ssem.at[slot])

        for t in range(ntask):
            slot = t % 2
            if t >= 2:
                scatter(t - 2, slot).wait()
            gather(t, slot).start()
            if t >= 1:
                gather(t - 1, 1 - slot).wait()
                scatter(t - 1, 1 - slot).start()
        last = ntask - 1
        gather(last, last % 2).wait()
        scatter(last, last % 2).start()
        scatter(last - 1, (last - 1) % 2).wait()
        scatter(last, last % 2).wait()

    return k(adj16, idx)


@functools.partial(jax.jit, static_argnames=())
def kernel(x, adj, idx, W0, W1):
    adj16 = adj.reshape(N * SUB, CW)
    adjg = _sc_gather(adj16, idx).reshape(Q, N)
    return adjg[:, :16]

    xw = pl.pallas_call(
        _matmul_small_kernel,
        out_shape=jax.ShapeDtypeStruct((N, H), jnp.float32),
    )(x, W0)

    nm = N // BM1
    h = pl.pallas_call(
        _layer1_kernel,
        grid=(nm,),
        in_specs=[
            pl.BlockSpec((BM1, N), lambda m: (m, 0)),
            pl.BlockSpec((N, H), lambda m: (0, 0)),
        ],
        out_specs=pl.BlockSpec((BM1, H), lambda m: (m, 0)),
        out_shape=jax.ShapeDtypeStruct((N, H), jnp.float32),
    )(adj, xw)

    out = pl.pallas_call(
        _layer2_kernel,
        grid=(Q // BR2,),
        in_specs=[
            pl.BlockSpec((BR2, N), lambda b: (b, 0)),
            pl.BlockSpec((N, H), lambda b: (0, 0)),
            pl.BlockSpec((H, C), lambda b: (0, 0)),
        ],
        out_specs=pl.BlockSpec((BR2, C), lambda b: (b, 0)),
        out_shape=jax.ShapeDtypeStruct((Q, C), jnp.float32),
    )(adjg, h, W1)
    return out

# --- scband reference (transcript-rebuilt; emitter-appended) ---
"""Pipeline reference for scband-gcn-60060822667911 (READ-ONLY COPY).

The authoritative reference and input builder live on the scoring server;
editing this copy changes nothing except your own understanding.
"""

import jax, jax.numpy as jnp
import numpy as np

N, F, H, C, Q = 10000, 128, 16, 16, 2048

def setup_inputs(seed: int = 0) -> dict:
    key = jax.random.key(seed)
    k1, k2, k3, k4, k5 = jax.random.split(key, 5)
    x = jax.random.normal(k1, (N, F), dtype=jnp.float32)
    adj = jax.random.uniform(k2, (N, N), dtype=jnp.float32)
    idx = jax.random.randint(k3, (Q,), 0, N)
    # GraphConvolution kernels (use_bias=False): layer0 F->H with relu, layer1 H->C linear
    W0 = jax.random.normal(k4, (F, H), dtype=jnp.float32) * 0.1
    W1 = jax.random.normal(k5, (H, C), dtype=jnp.float32) * 0.1
    return {"x": x, "adj": adj, "idx": idx, "W0": W0, "W1": W1}

def reference(x, adj, idx, W0, W1):
    # GCN inference path (training=False => dropout is identity)
    # GraphConvolution: out = activation(adj @ (x @ W))
    h = jnp.maximum(adj @ (x @ W0), 0.0)          # layer 0, relu
    h2 = adj @ (h @ W1)                            # output layer, linear logits
    return jnp.take(h2, idx, axis=0)               # tf.gather(x, idx)

if __name__ == "__main__":
    import jax
    _d = setup_inputs()
    print(jax.jit(kernel)(*tuple(_d.values())))

</pallas_src>

<mosaic_0001>
#map = affine_map<(d0, d1) -> (0, 0)>
#map1 = affine_map<(d0, d1) -> (0)>
module attributes {stable_mosaic.version = 14 : i64} {
  func.func @k(%arg0: i32, %arg1: i32, %arg2: memref<50000x2000xf32, #tpu.memory_space<hbm>>, %arg3: memref<2048xi32, #tpu.memory_space<hbm>>, %arg4: memref<10240x2000xf32, #tpu.memory_space<hbm>>, %arg5: memref<64xi32, #tpu.memory_space<vmem>>, %arg6: memref<2x16x2000xf32, #tpu.memory_space<vmem>>, %arg7: memref<2x!tpu.dma_semaphore, #tpu.memory_space<semaphore_mem>>, %arg8: memref<2x!tpu.dma_semaphore, #tpu.memory_space<semaphore_mem>>) attributes {dimension_semantics = [#tpu.dimension_semantics<core_parallel>, #tpu.dimension_semantics<subcore_parallel>], iteration_bounds = array<i64: 2, 16>, scalar_prefetch = 0 : i64, scratch_operands = 4 : i64, tpu.core_type = #tpu.core_type<sc_vector_subcore>, window_params = [{transform_indices = #map}, {transform_indices = #map1}, {transform_indices = #map}]} {
    %mul3A = arith.constant 2 : i32
    %mul3A_0 = arith.muli %arg1, %mul3A : i32
    %add3A = arith.addi %mul3A_0, %arg0 : i32
    %mul3A_1 = arith.constant 64 : i32
    %mul3A_2 = arith.muli %add3A, %mul3A_1 : i32
    "tpu.region"() ({
      %run_scoped3A = tpu.sem_alloc : memref<!tpu.dma_semaphore, #tpu.memory_space<semaphore_mem>>
      %dma_start3A_1640 = tpu.memref_slice %arg3[%mul3A_2] : memref<2048xi32, #tpu.memory_space<hbm>> -> memref<64xi32, #tpu.memory_space<hbm>>
      %dma_start3A_1641 = tpu.memref_slice %arg3[%mul3A_2] : memref<2048xi32, #tpu.memory_space<hbm>> -> memref<64xi32, #tpu.memory_space<hbm>>
      tpu.enqueue_dma source(%dma_start3A_1641 : memref<64xi32, #tpu.memory_space<hbm>>) target(%arg5 : memref<64xi32, #tpu.memory_space<vmem>>) target_semaphore(%run_scoped3A : memref<!tpu.dma_semaphore, #tpu.memory_space<semaphore_mem>>)
      %dma_wait3A_1642 = tpu.memref_slice %arg3[%mul3A_2] : memref<2048xi32, #tpu.memory_space<hbm>> -> memref<64xi32, #tpu.memory_space<hbm>>
      %dma_wait3A_1643 = tpu.memref_slice %arg3[%mul3A_2] : memref<2048xi32, #tpu.memory_space<hbm>> -> memref<64xi32, #tpu.memory_space<hbm>>
      tpu.wait_dma2 semaphore(%run_scoped3A : memref<!tpu.dma_semaphore, #tpu.memory_space<semaphore_mem>>) src(%dma_wait3A_1643 : memref<64xi32, #tpu.memory_space<hbm>>) dst(%arg5 : memref<64xi32, #tpu.memory_space<vmem>>)
      tpu.yield
    }) : () -> ()
    %iota3A = tpu.iota {dimensions = array<i32: 0>} : vector<16xi32>
    %get3A = arith.constant 0 : index
    %get3A_3 = tpu.vector_load %arg5[%get3A] {strides = array<i32>} : memref<64xi32, #tpu.memory_space<vmem>>, vector<16xi32>,
    %get3A_4 = vector.shape_cast %get3A_3 : vector<16xi32> to vector<16xi32>
    %mul3A_5 = arith.constant 5 : i32
    %mul3A_6 = vector.broadcast %mul3A_5 : i32 to vector<16xi32>
    %mul3A_7 = arith.muli %get3A_4, %mul3A_6 : vector<16xi32>
    %add3A_8 = arith.constant 0 : i32
    %add3A_9 = vector.broadcast %add3A_8 : i32 to vector<16xi32>
    %add3A_10 = arith.addi %mul3A_7, %add3A_9 : vector<16xi32>
    %dma_start3A = arith.constant 0 : i32
    %dma_start3A_11 = arith.constant 0 : i32
    %dma_start3A_12 = arith.constant 0 : i32
    %dma_start3A_13 = arith.constant 0 : i32
    %dma_start3A_14 = tpu.memref_slice %arg6[%dma_start3A, %dma_start3A_12, %dma_start3A_13] : memref<2x16x2000xf32, #tpu.memory_space<vmem>> -> memref<1x16x2000xf32, #tpu.memory_space<vmem>>
    %dma_start3A_15 = tpu.memref_squeeze %dma_start3A_14 : memref<1x16x2000xf32, #tpu.memory_space<vmem>> -> memref<16x2000xf32, #tpu.memory_space<vmem>>
    %dma_start3A_16 = arith.constant 0 : i32
    %dma_start3A_17 = arith.constant 0 : i32
    %dma_start3A_18 = tpu.memref_slice %arg2[%dma_start3A_16, %dma_start3A_17] : memref<50000x2000xf32, #tpu.memory_space<hbm>> -> memref<50000x2000xf32, #tpu.memory_space<hbm>>
    %dma_start3A_19 = tpu.memref_slice %arg7[%dma_start3A_11] : memref<2x!tpu.dma_semaphore, #tpu.memory_space<semaphore_mem>> -> memref<1x!tpu.dma_semaphore, #tpu.memory_space<semaphore_mem>>
    %dma_start3A_20 = tpu.memref_squeeze %dma_start3A_19 : memref<1x!tpu.dma_semaphore, #tpu.memory_space<semaphore_mem>> -> memref<!tpu.dma_semaphore, #tpu.memory_space<semaphore_mem>>
    tpu.enqueue_indirect_dma source(%dma_start3A_18 : memref<50000x2000xf32, #tpu.memory_space<hbm>>) target(%dma_start3A_15 : memref<16x2000xf32, #tpu.memory_space<vmem>>) offsets(%add3A_10 : vector<16xi32>) semaphore(%dma_start3A_20 : memref<!tpu.dma_semaphore, #tpu.memory_space<semaphore_mem>>)
    %get3A_21 = arith.constant 0 : index
    %get3A_22 = tpu.vector_load %arg5[%get3A_21] {strides = array<i32>} : memref<64xi32, #tpu.memory_space<vmem>>, vector<16xi32>,
    %get3A_23 = vector.shape_cast %get3A_22 : vector<16xi32> to vector<16xi32>
    %mul3A_24 = arith.constant 5 : i32
    %mul3A_25 = vector.broadcast %mul3A_24 : i32 to vector<16xi32>
    %mul3A_26 = arith.muli %get3A_23, %mul3A_25 : vector<16xi32>
    %add3A_27 = arith.constant 1 : i32
    %add3A_28 = vector.broadcast %add3A_27 : i32 to vector<16xi32>
    %add3A_29 = arith.addi %mul3A_26, %add3A_28 : vector<16xi32>
    %dma_start3A_30 = arith.constant 1 : i32
    %dma_start3A_31 = arith.constant 1 : i32
    %dma_start3A_32 = arith.constant 0 : i32
    %dma_start3A_33 = arith.constant 0 : i32
    %dma_start3A_34 = tpu.memref_slice %arg6[%dma_start3A_30, %dma_start3A_32, %dma_start3A_33] : memref<2x16x2000xf32, #tpu.memory_space<vmem>> -> memref<1x16x2000xf32, #tpu.memory_space<vmem>>
    %dma_start3A_35 = tpu.memref_squeeze %dma_start3A_34 : memref<1x16x2000xf32, #tpu.memory_space<vmem>> -> memref<16x2000xf32, #tpu.memory_space<vmem>>
    %dma_start3A_36 = arith.constant 0 : i32
    %dma_start3A_37 = arith.constant 0 : i32
    %dma_start3A_38 = tpu.memref_slice %arg2[%dma_start3A_36, %dma_start3A_37] : memref<50000x2000xf32, #tpu.memory_space<hbm>> -> memref<50000x2000xf32, #tpu.memory_space<hbm>>
    %dma_start3A_39 = tpu.memref_slice %arg7[%dma_start3A_31] : memref<2x!tpu.dma_semaphore, #tpu.memory_space<semaphore_mem>> -> memref<1x!tpu.dma_semaphore, #tpu.memory_space<semaphore_mem>>
    %dma_start3A_40 = tpu.memref_squeeze %dma_start3A_39 : memref<1x!tpu.dma_semaphore, #tpu.memory_space<semaphore_mem>> -> memref<!tpu.dma_semaphore, #tpu.memory_space<semaphore_mem>>
    tpu.enqueue_indirect_dma source(%dma_start3A_38 : memref<50000x2000xf32, #tpu.memory_space<hbm>>) target(%dma_start3A_35 : memref<16x2000xf32, #tpu.memory_space<vmem>>) offsets(%add3A_29 : vector<16xi32>) semaphore(%dma_start3A_40 : memref<!tpu.dma_semaphore, #tpu.memory_space<semaphore_mem>>)
    %get3A_41 = arith.constant 0 : index
    %get3A_42 = tpu.vector_load %arg5[%get3A_41] {strides = array<i32>} : memref<64xi32, #tpu.memory_space<vmem>>, vector<16xi32>,
    %get3A_43 = vector.shape_cast %get3A_42 : vector<16xi32> to vector<16xi32>
    %mul3A_44 = arith.constant 5 : i32
    %mul3A_45 = vector.broadcast %mul3A_44 : i32 to vector<16xi32>
    %mul3A_46 = arith.muli %get3A_43, %mul3A_45 : vector<16xi32>
    %add3A_47 = arith.constant 0 : i32
    %add3A_48 = vector.broadcast %add3A_47 : i32 to vector<16xi32>
    %add3A_49 = arith.addi %mul3A_46, %add3A_48 : vector<16xi32>
    %dma_wait3A = arith.constant 0 : i32
    %dma_wait3A_50 = arith.constant 0 : i32
    %dma_wait3A_51 = arith.constant 0 : i32
    %dma_wait3A_52 = arith.constant 0 : i32
    %dma_wait3A_53 = tpu.memref_slice %arg6[%dma_wait3A, %dma_wait3A_51, %dma_wait3A_52] : memref<2x16x2000xf32, #tpu.memory_space<vmem>> -> memref<1x16x2000xf32, #tpu.memory_space<vmem>>
    %dma_wait3A_54 = tpu.memref_squeeze %dma_wait3A_53 : memref<1x16x2000xf32, #tpu.memory_space<vmem>> -> memref<16x2000xf32, #tpu.memory_space<vmem>>
    %dma_wait3A_55 = arith.constant 0 : i32
    %dma_wait3A_56 = arith.constant 0 : i32
    %dma_wait3A_57 = tpu.memref_slice %arg2[%dma_wait3A_55, %dma_wait3A_56] : memref<50000x2000xf32, #tpu.memory_space<hbm>> -> memref<50000x2000xf32, #tpu.memory_space<hbm>>
    %dma_wait3A_58 = tpu.memref_slice %arg7[%dma_wait3A_50] : memref<2x!tpu.dma_semaphore, #tpu.memory_space<semaphore_mem>> -> memref<1x!tpu.dma_semaphore, #tpu.memory_space<semaphore_mem>>
    %dma_wait3A_59 = tpu.memref_squeeze %dma_wait3A_58 : memref<1x!tpu.dma_semaphore, #tpu.memory_space<semaphore_mem>> -> memref<!tpu.dma_semaphore, #tpu.memory_space<semaphore_mem>>
    tpu.wait_indirect_dma semaphore(%dma_wait3A_59 : memref<!tpu.dma_semaphore, #tpu.memory_space<semaphore_mem>>) src(%dma_wait3A_57 : memref<50000x2000xf32, #tpu.memory_space<hbm>>) dst(%dma_wait3A_54 : memref<16x2000xf32, #tpu.memory_space<vmem>>)
    %add3A_60 = arith.constant 0 : i32
    %add3A_61 = arith.addi %mul3A_2, %add3A_60 : i32
    %add3A_62 = vector.broadcast %add3A_61 : i32 to vector<16xi32>
    %add3A_63 = arith.addi %add3A_62, %iota3A : vector<16xi32>
    %mul3A_64 = arith.constant 5 : i32
    %mul3A_65 = vector.broadcast %mul3A_64 : i32 to vector<16xi32>
    %mul3A_66 = arith.muli %add3A_63, %mul3A_65 : vector<16xi32>
    %add3A_67 = arith.constant 0 : i32
    %add3A_68 = vector.broadcast %add3A_67 : i32 to vector<16xi32>
    %add3A_69 = arith.addi %mul3A_66, %add3A_68 : vector<16xi32>
    %dma_start3A_70 = arith.constant 0 : i32
    %dma_start3A_71 = arith.constant 0 : i32
    %dma_start3A_72 = arith.constant 0 : i32
    %dma_start3A_73 = arith.constant 0 : i32
    %dma_start3A_74 = tpu.memref_slice %arg6[%dma_start3A_70, %dma_start3A_72, %dma_start3A_73] : memref<2x16x2000xf32, #tpu.memory_space<vmem>> -> memref<1x16x2000xf32, #tpu.memory_space<vmem>>
    %dma_start3A_75 = tpu.memref_squeeze %dma_start3A_74 : memref<1x16x2000xf32, #tpu.memory_space<vmem>> -> memref<16x2000xf32, #tpu.memory_space<vmem>>
    %dma_start3A_76 = arith.constant 0 : i32
    %dma_start3A_77 = arith.constant 0 : i32
    %dma_start3A_78 = tpu.memref_slice %arg4[%dma_start3A_76, %dma_start3A_77] : memref<10240x2000xf32, #tpu.memory_space<hbm>> -> memref<10240x2000xf32, #tpu.memory_space<hbm>>
    %dma_start3A_79 = tpu.memref_slice %arg8[%dma_start3A_71] : memref<2x!tpu.dma_semaphore, #tpu.memory_space<semaphore_mem>> -> memref<1x!tpu.dma_semaphore, #tpu.memory_space<semaphore_mem>>
    %dma_start3A_80 = tpu.memref_squeeze %dma_start3A_79 : memref<1x!tpu.dma_semaphore, #tpu.memory_space<semaphore_mem>> -> memref<!tpu.dma_semaphore, #tpu.memory_space<semaphore_mem>>
    tpu.enqueue_indirect_dma source(%dma_start3A_75 : memref<16x2000xf32, #tpu.memory_space<vmem>>) target(%dma_start3A_78 : memref<10240x2000xf32, #tpu.memory_space<hbm>>) offsets(%add3A_69 : vector<16xi32>) semaphore(%dma_start3A_80 : memref<!tpu.dma_semaphore, #tpu.memory_space<semaphore_mem>>)
    %add3A_81 = arith.constant 0 : i32
    %add3A_82 = arith.addi %mul3A_2, %add3A_81 : i32
    %add3A_83 = vector.broadcast %add3A_82 : i32 to vector<16xi32>
    %add3A_84 = arith.addi %add3A_83, %iota3A : vector<16xi32>
    %mul3A_85 = arith.constant 5 : i32
    %mul3A_86 = vector.broadcast %mul3A_85 : i32 to vector<16xi32>
    %mul3A_87 = arith.muli %add3A_84, %mul3A_86 : vector<16xi32>
    %add3A_88 = arith.constant 0 : i32
    %add3A_89 = vector.broadcast %add3A_88 : i32 to vector<16xi32>
    %add3A_90 = arith.addi %mul3A_87, %add3A_89 : vector<16xi32>
    %dma_wait3A_91 = arith.constant 0 : i32
    %dma_wait3A_92 = arith.constant 0 : i32
    %dma_wait3A_93 = arith.constant 0 : i32
    %dma_wait3A_94 = arith.constant 0 : i32
    %dma_wait3A_95 = tpu.memref_slice %arg6[%dma_wait3A_91, %dma_wait3A_93, %dma_wait3A_94] : memref<2x16x2000xf32, #tpu.memory_space<vmem>> -> memref<1x16x2000xf32, #tpu.memory_space<vmem>>
    %dma_wait3A_96 = tpu.memref_squeeze %dma_wait3A_95 : memref<1x16x2000xf32, #tpu.memory_space<vmem>> -> memref<16x2000xf32, #tpu.memory_space<vmem>>
    %dma_wait3A_97 = arith.constant 0 : i32
    %dma_wait3A_98 = arith.constant 0 : i32
    %dma_wait3A_99 = tpu.memref_slice %arg4[%dma_wait3A_97, %dma_wait3A_98] : memref<10240x2000xf32, #tpu.memory_space<hbm>> -> memref<10240x2000xf32, #tpu.memory_space<hbm>>
    %dma_wait3A_100 = tpu.memref_slice %arg8[%dma_wait3A_92] : memref<2x!tpu.dma_semaphore, #tpu.memory_space<semaphore_mem>> -> memref<1x!tpu.dma_semaphore, #tpu.memory_space<semaphore_mem>>
    %dma_wait3A_101 = tpu.memref_squeeze %dma_wait3A_100 : memref<1x!tpu.dma_semaphore, #tpu.memory_space<semaphore_mem>> -> memref<!tpu.dma_semaphore, #tpu.memory_space<semaphore_mem>>
    tpu.wait_indirect_dma semaphore(%dma_wait3A_101 : memref<!tpu.dma_semaphore, #tpu.memory_space<semaphore_mem>>) src(%dma_wait3A_96 : memref<16x2000xf32, #tpu.memory_space<vmem>>) dst(%dma_wait3A_99 : memref<10240x2000xf32, #tpu.memory_space<hbm>>)
    %get3A_102 = arith.constant 0 : index
    %get3A_103 = tpu.vector_load %arg5[%get3A_102] {strides = array<i32>} : memref<64xi32, #tpu.memory_space<vmem>>, vector<16xi32>,
    %get3A_104 = vector.shape_cast %get3A_103 : vector<16xi32> to vector<16xi32>
    %mul3A_105 = arith.constant 5 : i32
    %mul3A_106 = vector.broadcast %mul3A_105 : i32 to vector<16xi32>
    %mul3A_107 = arith.muli %get3A_104, %mul3A_106 : vector<16xi32>
    %add3A_108 = arith.constant 2 : i32
    %add3A_109 = vector.broadcast %add3A_108 : i32 to vector<16xi32>
    %add3A_110 = arith.addi %mul3A_107, %add3A_109 : vector<16xi32>
    %dma_start3A_111 = arith.constant 0 : i32
    %dma_start3A_112 = arith.constant 0 : i32
    %dma_start3A_113 = arith.constant 0 : i32
    %dma_start3A_114 = arith.constant 0 : i32
    %dma_start3A_115 = tpu.memref_slice %arg6[%dma_start3A_111, %dma_start3A_113, %dma_start3A_114] : memref<2x16x2000xf32, #tpu.memory_space<vmem>> -> memref<1x16x2000xf32, #tpu.memory_space<vmem>>
    %dma_start3A_116 = tpu.memref_squeeze %dma_start3A_115 : memref<1x16x2000xf32, #tpu.memory_space<vmem>> -> memref<16x2000xf32, #tpu.memory_space<vmem>>
    %dma_start3A_117 = arith.constant 0 : i32
    %dma_start3A_118 = arith.constant 0 : i32
    %dma_start3A_119 = tpu.memref_slice %arg2[%dma_start3A_117, %dma_start3A_118] : memref<50000x2000xf32, #tpu.memory_space<hbm>> -> memref<50000x2000xf32, #tpu.memory_space<hbm>>
    %dma_start3A_120 = tpu.memref_slice %arg7[%dma_start3A_112] : memref<2x!tpu.dma_semaphore, #tpu.memory_space<semaphore_mem>> -> memref<1x!tpu.dma_semaphore, #tpu.memory_space<semaphore_mem>>
    %dma_start3A_121 = tpu.memref_squeeze %dma_start3A_120 : memref<1x!tpu.dma_semaphore, #tpu.memory_space<semaphore_mem>> -> memref<!tpu.dma_semaphore, #tpu.memory_space<semaphore_mem>>
    tpu.enqueue_indirect_dma source(%dma_start3A_119 : memref<50000x2000xf32, #tpu.memory_space<hbm>>) target(%dma_start3A_116 : memref<16x2000xf32, #tpu.memory_space<vmem>>) offsets(%add3A_110 : vector<16xi32>) semaphore(%dma_start3A_121 : memref<!tpu.dma_semaphore, #tpu.memory_space<semaphore_mem>>)
    %get3A_122 = arith.constant 0 : index
    %get3A_123 = tpu.vector_load %arg5[%get3A_122] {strides = array<i32>} : memref<64xi32, #tpu.memory_space<vmem>>, vector<16xi32>,
    %get3A_124 = vector.shape_cast %get3A_123 : vector<16xi32> to vector<16xi32>
    %mul3A_125 = arith.constant 5 : i32
    %mul3A_126 = vector.broadcast %mul3A_125 : i32 to vector<16xi32>
    %mul3A_127 = arith.muli %get3A_124, %mul3A_126 : vector<16xi32>
    %add3A_128 = arith.constant 1 : i32
    %add3A_129 = vector.broadcast %add3A_128 : i32 to vector<16xi32>
    %add3A_130 = arith.addi %mul3A_127, %add3A_129 : vector<16xi32>
    %dma_wait3A_131 = arith.constant 1 : i32
    %dma_wait3A_132 = arith.constant 1 : i32
    %dma_wait3A_133 = arith.constant 0 : i32
    %dma_wait3A_134 = arith.constant 0 : i32
    %dma_wait3A_135 = tpu.memref_slice %arg6[%dma_wait3A_131, %dma_wait3A_133, %dma_wait3A_134] : memref<2x16x2000xf32, #tpu.memory_space<vmem>> -> memref<1x16x2000xf32, #tpu.memory_space<vmem>>
    %dma_wait3A_136 = tpu.memref_squeeze %dma_wait3A_135 : memref<1x16x2000xf32, #tpu.memory_space<vmem>> -> memref<16x2000xf32, #tpu.memory_space<vmem>>
    %dma_wait3A_137 = arith.constant 0 : i32
    %dma_wait3A_138 = arith.constant 0 : i32
    %dma_wait3A_139 = tpu.memref_slice %arg2[%dma_wait3A_137, %dma_wait3A_138] : memref<50000x2000xf32, #tpu.memory_space<hbm>> -> memref<50000x2000xf32, #tpu.memory_space<hbm>>
    %dma_wait3A_140 = tpu.memref_slice %arg7[%dma_wait3A_132] : memref<2x!tpu.dma_semaphore, #tpu.memory_space<semaphore_mem>> -> memref<1x!tpu.dma_semaphore, #tpu.memory_space<semaphore_mem>>
    %dma_wait3A_141 = tpu.memref_squeeze %dma_wait3A_140 : memref<1x!tpu.dma_semaphore, #tpu.memory_space<semaphore_mem>> -> memref<!tpu.dma_semaphore, #tpu.memory_space<semaphore_mem>>
    tpu.wait_indirect_dma semaphore(%dma_wait3A_141 : memref<!tpu.dma_semaphore, #tpu.memory_space<semaphore_mem>>) src(%dma_wait3A_139 : memref<50000x2000xf32, #tpu.memory_space<hbm>>) dst(%dma_wait3A_136 : memref<16x2000xf32, #tpu.memory_space<vmem>>)
    %add3A_142 = arith.constant 0 : i32
    %add3A_143 = arith.addi %mul3A_2, %add3A_142 : i32
    %add3A_144 = vector.broadcast %add3A_143 : i32 to vector<16xi32>
    %add3A_145 = arith.addi %add3A_144, %iota3A : vector<16xi32>
    %mul3A_146 = arith.constant 5 : i32
    %mul3A_147 = vector.broadcast %mul3A_146 : i32 to vector<16xi32>
    %mul3A_148 = arith.muli %add3A_145, %mul3A_147 : vector<16xi32>
    %add3A_149 = arith.constant 1 : i32
    %add3A_150 = vector.broadcast %add3A_149 : i32 to vector<16xi32>
    %add3A_151 = arith.addi %mul3A_148, %add3A_150 : vector<16xi32>
    %dma_start3A_152 = arith.constant 1 : i32
    %dma_start3A_153 = arith.constant 1 : i32
    %dma_start3A_154 = arith.constant 0 : i32
    %dma_start3A_155 = arith.constant 0 : i32
    %dma_start3A_156 = tpu.memref_slice %arg6[%dma_start3A_152, %dma_start3A_154, %dma_start3A_155] : memref<2x16x2000xf32, #tpu.memory_space<vmem>> -> memref<1x16x2000xf32, #tpu.memory_space<vmem>>
    %dma_start3A_157 = tpu.memref_squeeze %dma_start3A_156 : memref<1x16x2000xf32, #tpu.memory_space<vmem>> -> memref<16x2000xf32, #tpu.memory_space<vmem>>
    %dma_start3A_158 = arith.constant 0 : i32
    %dma_start3A_159 = arith.constant 0 : i32
    %dma_start3A_160 = tpu.memref_slice %arg4[%dma_start3A_158, %dma_start3A_159] : memref<10240x2000xf32, #tpu.memory_space<hbm>> -> memref<10240x2000xf32, #tpu.memory_space<hbm>>
    %dma_start3A_161 = tpu.memref_slice %arg8[%dma_start3A_153] : memref<2x!tpu.dma_semaphore, #tpu.memory_space<semaphore_mem>> -> memref<1x!tpu.dma_semaphore, #tpu.memory_space<semaphore_mem>>
    %dma_start3A_162 = tpu.memref_squeeze %dma_start3A_161 : memref<1x!tpu.dma_semaphore, #tpu.memory_space<semaphore_mem>> -> memref<!tpu.dma_semaphore, #tpu.memory_space<semaphore_mem>>
    tpu.enqueue_indirect_dma source(%dma_start3A_157 : memref<16x2000xf32, #tpu.memory_space<vmem>>) target(%dma_start3A_160 : memref<10240x2000xf32, #tpu.memory_space<hbm>>) offsets(%add3A_151 : vector<16xi32>) semaphore(%dma_start3A_162 : memref<!tpu.dma_semaphore, #tpu.memory_space<semaphore_mem>>)
    %add3A_163 = arith.constant 0 : i32
    %add3A_164 = arith.addi %mul3A_2, %add3A_163 : i32
    %add3A_165 = vector.broadcast %add3A_164 : i32 to vector<16xi32>
    %add3A_166 = arith.addi %add3A_165, %iota3A : vector<16xi32>
    %mul3A_167 = arith.constant 5 : i32
    %mul3A_168 = vector.broadcast %mul3A_167 : i32 to vector<16xi32>
    %mul3A_169 = arith.muli %add3A_166, %mul3A_168 : vector<16xi32>
    %add3A_170 = arith.constant 1 : i32
    %add3A_171 = vector.broadcast %add3A_170 : i32 to vector<16xi32>
    %add3A_172 = arith.addi %mul3A_169, %add3A_171 : vector<16xi32>
    %dma_wait3A_173 = arith.constant 1 : i32
    %dma_wait3A_174 = arith.constant 1 : i32
    %dma_wait3A_175 = arith.constant 0 : i32
    %dma_wait3A_176 = arith.constant 0 : i32
    %dma_wait3A_177 = tpu.memref_slice %arg6[%dma_wait3A_173, %dma_wait3A_175, %dma_wait3A_176] : memref<2x16x2000xf32, #tpu.memory_space<vmem>> -> memref<1x16x2000xf32, #tpu.memory_space<vmem>>
    %dma_wait3A_178 = tpu.memref_squeeze %dma_wait3A_177 : memref<1x16x2000xf32, #tpu.memory_space<vmem>> -> memref<16x2000xf32, #tpu.memory_space<vmem>>
    %dma_wait3A_179 = arith.constant 0 : i32
    %dma_wait3A_180 = arith.constant 0 : i32
    %dma_wait3A_181 = tpu.memref_slice %arg4[%dma_wait3A_179, %dma_wait3A_180] : memref<10240x2000xf32, #tpu.memory_space<hbm>> -> memref<10240x2000xf32, #tpu.memory_space<hbm>>
    %dma_wait3A_182 = tpu.memref_slice %arg8[%dma_wait3A_174] : memref<2x!tpu.dma_semaphore, #tpu.memory_space<semaphore_mem>> -> memref<1x!tpu.dma_semaphore, #tpu.memory_space<semaphore_mem>>
    %dma_wait3A_183 = tpu.memref_squeeze %dma_wait3A_182 : memref<1x!tpu.dma_semaphore, #tpu.memory_space<semaphore_mem>> -> memref<!tpu.dma_semaphore, #tpu.memory_space<semaphore_mem>>
    tpu.wait_indirect_dma semaphore(%dma_wait3A_183 : memref<!tpu.dma_semaphore, #tpu.memory_space<semaphore_mem>>) src(%dma_wait3A_178 : memref<16x2000xf32, #tpu.memory_space<vmem>>) dst(%dma_wait3A_181 : memref<10240x2000xf32, #tpu.memory_space<hbm>>)
    %get3A_184 = arith.constant 0 : index
    %get3A_185 = tpu.vector_load %arg5[%get3A_184] {strides = array<i32>} : memref<64xi32, #tpu.memory_space<vmem>>, vector<16xi32>,
    %get3A_186 = vector.shape_cast %get3A_185 : vector<16xi32> to vector<16xi32>
    %mul3A_187 = arith.constant 5 : i32
    %mul3A_188 = vector.broadcast %mul3A_187 : i32 to vector<16xi32>
    %mul3A_189 = arith.muli %get3A_186, %mul3A_188 : vector<16xi32>
    %add3A_190 = arith.constant 3 : i32
    %add3A_191 = vector.broadcast %add3A_190 : i32 to vector<16xi32>
    %add3A_192 = arith.addi %mul3A_189, %add3A_191 : vector<16xi32>
    %dma_start3A_193 = arith.constant 1 : i32
    %dma_start3A_194 = arith.constant 1 : i32
    %dma_start3A_195 = arith.constant 0 : i32
    %dma_start3A_196 = arith.constant 0 : i32
    %dma_start3A_197 = tpu.memref_slice %arg6[%dma_start3A_193, %dma_start3A_195, %dma_start3A_196] : memref<2x16x2000xf32, #tpu.memory_space<vmem>> -> memref<1x16x2000xf32, #tpu.memory_space<vmem>>
    %dma_start3A_198 = tpu.memref_squeeze %dma_start3A_197 : memref<1x16x2000xf32, #tpu.memory_space<vmem>> -> memref<16x2000xf32, #tpu.memory_space<vmem>>
    %dma_start3A_199 = arith.constant 0 : i32
    %dma_start3A_200 = arith.constant 0 : i32
    %dma_start3A_201 = tpu.memref_slice %arg2[%dma_start3A_199, %dma_start3A_200] : memref<50000x2000xf32, #tpu.memory_space<hbm>> -> memref<50000x2000xf32, #tpu.memory_space<hbm>>
    %dma_start3A_202 = tpu.memref_slice %arg7[%dma_start3A_194] : memref<2x!tpu.dma_semaphore, #tpu.memory_space<semaphore_mem>> -> memref<1x!tpu.dma_semaphore, #tpu.memory_space<semaphore_mem>>
    %dma_start3A_203 = tpu.memref_squeeze %dma_start3A_202 : memref<1x!tpu.dma_semaphore, #tpu.memory_space<semaphore_mem>> -> memref<!tpu.dma_semaphore, #tpu.memory_space<semaphore_mem>>
    tpu.enqueue_indirect_dma source(%dma_start3A_201 : memref<50000x2000xf32, #tpu.memory_space<hbm>>) target(%dma_start3A_198 : memref<16x2000xf32, #tpu.memory_space<vmem>>) offsets(%add3A_192 : vector<16xi32>) semaphore(%dma_start3A_203 : memref<!tpu.dma_semaphore, #tpu.memory_space<semaphore_mem>>)
    %get3A_204 = arith.constant 0 : index
    %get3A_205 = tpu.vector_load %arg5[%get3A_204] {strides = array<i32>} : memref<64xi32, #tpu.memory_space<vmem>>, vector<16xi32>,
    %get3A_206 = vector.shape_cast %get3A_205 : vector<16xi32> to vector<16xi32>
    %mul3A_207 = arith.constant 5 : i32
    %mul3A_208 = vector.broadcast %mul3A_207 : i32 to vector<16xi32>
    %mul3A_209 = arith.muli %get3A_206, %mul3A_208 : vector<16xi32>
    %add3A_210 = arith.constant 2 : i32
    %add3A_211 = vector.broadcast %add3A_210 : i32 to vector<16xi32>
    %add3A_212 = arith.addi %mul3A_209, %add3A_211 : vector<16xi32>
    %dma_wait3A_213 = arith.constant 0 : i32
    %dma_wait3A_214 = arith.constant 0 : i32
    %dma_wait3A_215 = arith.constant 0 : i32
    %dma_wait3A_216 = arith.constant 0 : i32
    %dma_wait3A_217 = tpu.memref_slice %arg6[%dma_wait3A_213, %dma_wait3A_215, %dma_wait3A_216] : memref<2x16x2000xf32, #tpu.memory_space<vmem>> -> memref<1x16x2000xf32, #tpu.memory_space<vmem>>
    %dma_wait3A_218 = tpu.memref_squeeze %dma_wait3A_217 : memref<1x16x2000xf32, #tpu.memory_space<vmem>> -> memref<16x2000xf32, #tpu.memory_space<vmem>>
    %dma_wait3A_219 = arith.constant 0 : i32
    %dma_wait3A_220 = arith.constant 0 : i32
    %dma_wait3A_221 = tpu.memref_slice %arg2[%dma_wait3A_219, %dma_wait3A_220] : memref<50000x2000xf32, #tpu.memory_space<hbm>> -> memref<50000x2000xf32, #tpu.memory_space<hbm>>
    %dma_wait3A_222 = tpu.memref_slice %arg7[%dma_wait3A_214] : memref<2x!tpu.dma_semaphore, #tpu.memory_space<semaphore_mem>> -> memref<1x!tpu.dma_semaphore, #tpu.memory_space<semaphore_mem>>
    %dma_wait3A_223 = tpu.memref_squeeze %dma_wait3A_222 : memref<1x!tpu.dma_semaphore, #tpu.memory_space<semaphore_mem>> -> memref<!tpu.dma_semaphore, #tpu.memory_space<semaphore_mem>>
    tpu.wait_indirect_dma semaphore(%dma_wait3A_223 : memref<!tpu.dma_semaphore, #tpu.memory_space<semaphore_mem>>) src(%dma_wait3A_221 : memref<50000x2000xf32, #tpu.memory_space<hbm>>) dst(%dma_wait3A_218 : memref<16x2000xf32, #tpu.memory_space<vmem>>)
    %add3A_224 = arith.constant 0 : i32
    %add3A_225 = arith.addi %mul3A_2, %add3A_224 : i32
    %add3A_226 = vector.broadcast %add3A_225 : i32 to vector<16xi32>
    %add3A_227 = arith.addi %add3A_226, %iota3A : vector<16xi32>
    %mul3A_228 = arith.constant 5 : i32
    %mul3A_229 = vector.broadcast %mul3A_228 : i32 to vector<16xi32>
    %mul3A_230 = arith.muli %add3A_227, %mul3A_229 : vector<16xi32>
    %add3A_231 = arith.constant 2 : i32
    %add3A_232 = vector.broadcast %add3A_231 : i32 to vector<16xi32>
    %add3A_233 = arith.addi %mul3A_230, %add3A_232 : vector<16xi32>
    %dma_start3A_234 = arith.constant 0 : i32
    %dma_start3A_235 = arith.constant 0 : i32
    %dma_start3A_236 = arith.constant 0 : i32
    %dma_start3A_237 = arith.constant 0 : i32
    %dma_start3A_238 = tpu.memref_slice %arg6[%dma_start3A_234, %dma_start3A_236, %dma_start3A_237] : memref<2x16x2000xf32, #tpu.memory_space<vmem>> -> memref<1x16x2000xf32, #tpu.memory_space<vmem>>
    %dma_start3A_239 = tpu.memref_squeeze %dma_start3A_238 : memref<1x16x2000xf32, #tpu.memory_space<vmem>> -> memref<16x2000xf32, #tpu.memory_space<vmem>>
    %dma_start3A_240 = arith.constant 0 : i32
    %dma_start3A_241 = arith.constant 0 : i32
    %dma_start3A_242 = tpu.memref_slice %arg4[%dma_start3A_240, %dma_start3A_241] : memref<10240x2000xf32, #tpu.memory_space<hbm>> -> memref<10240x2000xf32, #tpu.memory_space<hbm>>
    %dma_start3A_243 = tpu.memref_slice %arg8[%dma_start3A_235] : memref<2x!tpu.dma_semaphore, #tpu.memory_space<semaphore_mem>> -> memref<1x!tpu.dma_semaphore, #tpu.memory_space<semaphore_mem>>
    %dma_start3A_244 = tpu.memref_squeeze %dma_start3A_243 : memref<1x!tpu.dma_semaphore, #tpu.memory_space<semaphore_mem>> -> memref<!tpu.dma_semaphore, #tpu.memory_space<semaphore_mem>>
    tpu.enqueue_indirect_dma source(%dma_start3A_239 : memref<16x2000xf32, #tpu.memory_space<vmem>>) target(%dma_start3A_242 : memref<10240x2000xf32, #tpu.memory_space<hbm>>) offsets(%add3A_233 : vector<16xi32>) semaphore(%dma_start3A_244 : memref<!tpu.dma_semaphore, #tpu.memory_space<semaphore_mem>>)
    %add3A_245 = arith.constant 0 : i32
    %add3A_246 = arith.addi %mul3A_2, %add3A_245 : i32
    %add3A_247 = vector.broadcast %add3A_246 : i32 to vector<16xi32>
    %add3A_248 = arith.addi %add3A_247, %iota3A : vector<16xi32>
    %mul3A_249 = arith.constant 5 : i32
    %mul3A_250 = vector.broadcast %mul3A_249 : i32 to vector<16xi32>
    %mul3A_251 = arith.muli %add3A_248, %mul3A_250 : vector<16xi32>
    %add3A_252 = arith.constant 2 : i32
    %add3A_253 = vector.broadcast %add3A_252 : i32 to vector<16xi32>
    %add3A_254 = arith.addi %mul3A_251, %add3A_253 : vector<16xi32>
    %dma_wait3A_255 = arith.constant 0 : i32
    %dma_wait3A_256 = arith.constant 0 : i32
    %dma_wait3A_257 = arith.constant 0 : i32
    %dma_wait3A_258 = arith.constant 0 : i32
    %dma_wait3A_259 = tpu.memref_slice %arg6[%dma_wait3A_255, %dma_wait3A_257, %dma_wait3A_258] : memref<2x16x2000xf32, #tpu.memory_space<vmem>> -> memref<1x16x2000xf32, #tpu.memory_space<vmem>>
    %dma_wait3A_260 = tpu.memref_squeeze %dma_wait3A_259 : memref<1x16x2000xf32, #tpu.memory_space<vmem>> -> memref<16x2000xf32, #tpu.memory_space<vmem>>
    %dma_wait3A_261 = arith.constant 0 : i32
    %dma_wait3A_262 = arith.constant 0 : i32
    %dma_wait3A_263 = tpu.memref_slice %arg4[%dma_wait3A_261, %dma_wait3A_262] : memref<10240x2000xf32, #tpu.memory_space<hbm>> -> memref<10240x2000xf32, #tpu.memory_space<hbm>>
    %dma_wait3A_264 = tpu.memref_slice %arg8[%dma_wait3A_256] : memref<2x!tpu.dma_semaphore, #tpu.memory_space<semaphore_mem>> -> memref<1x!tpu.dma_semaphore, #tpu.memory_space<semaphore_mem>>
    %dma_wait3A_265 = tpu.memref_squeeze %dma_wait3A_264 : memref<1x!tpu.dma_semaphore, #tpu.memory_space<semaphore_mem>> -> memref<!tpu.dma_semaphore, #tpu.memory_space<semaphore_mem>>
    tpu.wait_indirect_dma semaphore(%dma_wait3A_265 : memref<!tpu.dma_semaphore, #tpu.memory_space<semaphore_mem>>) src(%dma_wait3A_260 : memref<16x2000xf32, #tpu.memory_space<vmem>>) dst(%dma_wait3A_263 : memref<10240x2000xf32, #tpu.memory_space<hbm>>)
    %get3A_266 = arith.constant 0 : index
    %get3A_267 = tpu.vector_load %arg5[%get3A_266] {strides = array<i32>} : memref<64xi32, #tpu.memory_space<vmem>>, vector<16xi32>,
    %get3A_268 = vector.shape_cast %get3A_267 : vector<16xi32> to vector<16xi32>
    %mul3A_269 = arith.constant 5 : i32
    %mul3A_270 = vector.broadcast %mul3A_269 : i32 to vector<16xi32>
    %mul3A_271 = arith.muli %get3A_268, %mul3A_270 : vector<16xi32>
    %add3A_272 = arith.constant 4 : i32
    %add3A_273 = vector.broadcast %add3A_272 : i32 to vector<16xi32>
    %add3A_274 = arith.addi %mul3A_271, %add3A_273 : vector<16xi32>
    %dma_start3A_275 = arith.constant 0 : i32
    %dma_start3A_276 = arith.constant 0 : i32
    %dma_start3A_277 = arith.constant 0 : i32
    %dma_start3A_278 = arith.constant 0 : i32
    %dma_start3A_279 = tpu.memref_slice %arg6[%dma_start3A_275, %dma_start3A_277, %dma_start3A_278] : memref<2x16x2000xf32, #tpu.memory_space<vmem>> -> memref<1x16x2000xf32, #tpu.memory_space<vmem>>
    %dma_start3A_280 = tpu.memref_squeeze %dma_start3A_279 : memref<1x16x2000xf32, #tpu.memory_space<vmem>> -> memref<16x2000xf32, #tpu.memory_space<vmem>>
    %dma_start3A_281 = arith.constant 0 : i32
    %dma_start3A_282 = arith.constant 0 : i32
    %dma_start3A_283 = tpu.memref_slice %arg2[%dma_start3A_281, %dma_start3A_282] : memref<50000x2000xf32, #tpu.memory_space<hbm>> -> memref<50000x2000xf32, #tpu.memory_space<hbm>>
    %dma_start3A_284 = tpu.memref_slice %arg7[%dma_start3A_276] : memref<2x!tpu.dma_semaphore, #tpu.memory_space<semaphore_mem>> -> memref<1x!tpu.dma_semaphore, #tpu.memory_space<semaphore_mem>>
    %dma_start3A_285 = tpu.memref_squeeze %dma_start3A_284 : memref<1x!tpu.dma_semaphore, #tpu.memory_space<semaphore_mem>> -> memref<!tpu.dma_semaphore, #tpu.memory_space<semaphore_mem>>
    tpu.enqueue_indirect_dma source(%dma_start3A_283 : memref<50000x2000xf32, #tpu.memory_space<hbm>>) target(%dma_start3A_280 : memref<16x2000xf32, #tpu.memory_space<vmem>>) offsets(%add3A_274 : vector<16xi32>) semaphore(%dma_start3A_285 : memref<!tpu.dma_semaphore, #tpu.memory_space<semaphore_mem>>)
    %get3A_286 = arith.constant 0 : index
    %get3A_287 = tpu.vector_load %arg5[%get3A_286] {strides = array<i32>} : memref<64xi32, #tpu.memory_space<vmem>>, vector<16xi32>,
    %get3A_288 = vector.shape_cast %get3A_287 : vector<16xi32> to vector<16xi32>
    %mul3A_289 = arith.constant 5 : i32
    %mul3A_290 = vector.broadcast %mul3A_289 : i32 to vector<16xi32>
    %mul3A_291 = arith.muli %get3A_288, %mul3A_290 : vector<16xi32>
    %add3A_292 = arith.constant 3 : i32
    %add3A_293 = vector.broadcast %add3A_292 : i32 to vector<16xi32>
    %add3A_294 = arith.addi %mul3A_291, %add3A_293 : vector<16xi32>
    %dma_wait3A_295 = arith.constant 1 : i32
    %dma_wait3A_296 = arith.constant 1 : i32
    %dma_wait3A_297 = arith.constant 0 : i32
    %dma_wait3A_298 = arith.constant 0 : i32
    %dma_wait3A_299 = tpu.memref_slice %arg6[%dma_wait3A_295, %dma_wait3A_297, %dma_wait3A_298] : memref<2x16x2000xf32, #tpu.memory_space<vmem>> -> memref<1x16x2000xf32, #tpu.memory_space<vmem>>
    %dma_wait3A_300 = tpu.memref_squeeze %dma_wait3A_299 : memref<1x16x2000xf32, #tpu.memory_space<vmem>> -> memref<16x2000xf32, #tpu.memory_space<vmem>>
    %dma_wait3A_301 = arith.constant 0 : i32
    %dma_wait3A_302 = arith.constant 0 : i32
    %dma_wait3A_303 = tpu.memref_slice %arg2[%dma_wait3A_301, %dma_wait3A_302] : memref<50000x2000xf32, #tpu.memory_space<hbm>> -> memref<50000x2000xf32, #tpu.memory_space<hbm>>
    %dma_wait3A_304 = tpu.memref_slice %arg7[%dma_wait3A_296] : memref<2x!tpu.dma_semaphore, #tpu.memory_space<semaphore_mem>> -> memref<1x!tpu.dma_semaphore, #tpu.memory_space<semaphore_mem>>
    %dma_wait3A_305 = tpu.memref_squeeze %dma_wait3A_304 : memref<1x!tpu.dma_semaphore, #tpu.memory_space<semaphore_mem>> -> memref<!tpu.dma_semaphore, #tpu.memory_space<semaphore_mem>>
    tpu.wait_indirect_dma semaphore(%dma_wait3A_305 : memref<!tpu.dma_semaphore, #tpu.memory_space<semaphore_mem>>) src(%dma_wait3A_303 : memref<50000x2000xf32, #tpu.memory_space<hbm>>) dst(%dma_wait3A_300 : memref<16x2000xf32, #tpu.memory_space<vmem>>)
    %add3A_306 = arith.constant 0 : i32
    %add3A_307 = arith.addi %mul3A_2, %add3A_306 : i32
    %add3A_308 = vector.broadcast %add3A_307 : i32 to vector<16xi32>
    %add3A_309 = arith.addi %add3A_308, %iota3A : vector<16xi32>
    %mul3A_310 = arith.constant 5 : i32
    %mul3A_311 = vector.broadcast %mul3A_310 : i32 to vector<16xi32>
    %mul3A_312 = arith.muli %add3A_309, %mul3A_311 : vector<16xi32>
    %add3A_313 = arith.constant 3 : i32
    %add3A_314 = vector.broadcast %add3A_313 : i32 to vector<16xi32>
    %add3A_315 = arith.addi %mul3A_312, %add3A_314 : vector<16xi32>
    %dma_start3A_316 = arith.constant 1 : i32
    %dma_start3A_317 = arith.constant 1 : i32
    %dma_start3A_318 = arith.constant 0 : i32
    %dma_start3A_319 = arith.constant 0 : i32
    %dma_start3A_320 = tpu.memref_slice %arg6[%dma_start3A_316, %dma_start3A_318, %dma_start3A_319] : memref<2x16x2000xf32, #tpu.memory_space<vmem>> -> memref<1x16x2000xf32, #tpu.memory_space<vmem>>
    %dma_start3A_321 = tpu.memref_squeeze %dma_start3A_320 : memref<1x16x2000xf32, #tpu.memory_space<vmem>> -> memref<16x2000xf32, #tpu.memory_space<vmem>>
    %dma_start3A_322 = arith.constant 0 : i32
    %dma_start3A_323 = arith.constant 0 : i32
    %dma_start3A_324 = tpu.memref_slice %arg4[%dma_start3A_322, %dma_start3A_323] : memref<10240x2000xf32, #tpu.memory_space<hbm>> -> memref<10240x2000xf32, #tpu.memory_space<hbm>>
    %dma_start3A_325 = tpu.memref_slice %arg8[%dma_start3A_317] : memref<2x!tpu.dma_semaphore, #tpu.memory_space<semaphore_mem>> -> memref<1x!tpu.dma_semaphore, #tpu.memory_space<semaphore_mem>>
    %dma_start3A_326 = tpu.memref_squeeze %dma_start3A_325 : memref<1x!tpu.dma_semaphore, #tpu.memory_space<semaphore_mem>> -> memref<!tpu.dma_semaphore, #tpu.memory_space<semaphore_mem>>
    tpu.enqueue_indirect_dma source(%dma_start3A_321 : memref<16x2000xf32, #tpu.memory_space<vmem>>) target(%dma_start3A_324 : memref<10240x2000xf32, #tpu.memory_space<hbm>>) offsets(%add3A_315 : vector<16xi32>) semaphore(%dma_start3A_326 : memref<!tpu.dma_semaphore, #tpu.memory_space<semaphore_mem>>)
    %add3A_327 = arith.constant 0 : i32
    %add3A_328 = arith.addi %mul3A_2, %add3A_327 : i32
    %add3A_329 = vector.broadcast %add3A_328 : i32 to vector<16xi32>
    %add3A_330 = arith.addi %add3A_329, %iota3A : vector<16xi32>
    %mul3A_331 = arith.constant 5 : i32
    %mul3A_332 = vector.broadcast %mul3A_331 : i32 to vector<16xi32>
    %mul3A_333 = arith.muli %add3A_330, %mul3A_332 : vector<16xi32>
    %add3A_334 = arith.constant 3 : i32
    %add3A_335 = vector.broadcast %add3A_334 : i32 to vector<16xi32>
    %add3A_336 = arith.addi %mul3A_333, %add3A_335 : vector<16xi32>
    %dma_wait3A_337 = arith.constant 1 : i32
    %dma_wait3A_338 = arith.constant 1 : i32
    %dma_wait3A_339 = arith.constant 0 : i32
    %dma_wait3A_340 = arith.constant 0 : i32
    %dma_wait3A_341 = tpu.memref_slice %arg6[%dma_wait3A_337, %dma_wait3A_339, %dma_wait3A_340] : memref<2x16x2000xf32, #tpu.memory_space<vmem>> -> memref<1x16x2000xf32, #tpu.memory_space<vmem>>
    %dma_wait3A_342 = tpu.memref_squeeze %dma_wait3A_341 : memref<1x16x2000xf32, #tpu.memory_space<vmem>> -> memref<16x2000xf32, #tpu.memory_space<vmem>>
    %dma_wait3A_343 = arith.constant 0 : i32
    %dma_wait3A_344 = arith.constant 0 : i32
    %dma_wait3A_345 = tpu.memref_slice %arg4[%dma_wait3A_343, %dma_wait3A_344] : memref<10240x2000xf32, #tpu.memory_space<hbm>> -> memref<10240x2000xf32, #tpu.memory_space<hbm>>
    %dma_wait3A_346 = tpu.memref_slice %arg8[%dma_wait3A_338] : memref<2x!tpu.dma_semaphore, #tpu.memory_space<semaphore_mem>> -> memref<1x!tpu.dma_semaphore, #tpu.memory_space<semaphore_mem>>
    %dma_wait3A_347 = tpu.memref_squeeze %dma_wait3A_346 : memref<1x!tpu.dma_semaphore, #tpu.memory_space<semaphore_mem>> -> memref<!tpu.dma_semaphore, #tpu.memory_space<semaphore_mem>>
    tpu.wait_indirect_dma semaphore(%dma_wait3A_347 : memref<!tpu.dma_semaphore, #tpu.memory_space<semaphore_mem>>) src(%dma_wait3A_342 : memref<16x2000xf32, #tpu.memory_space<vmem>>) dst(%dma_wait3A_345 : memref<10240x2000xf32, #tpu.memory_space<hbm>>)
    %get3A_348 = arith.constant 16 : index
    %get3A_349 = tpu.vector_load %arg5[%get3A_348] {strides = array<i32>} : memref<64xi32, #tpu.memory_space<vmem>>, vector<16xi32>,
    %get3A_350 = vector.shape_cast %get3A_349 : vector<16xi32> to vector<16xi32>
    %mul3A_351 = arith.constant 5 : i32
    %mul3A_352 = vector.broadcast %mul3A_351 : i32 to vector<16xi32>
    %mul3A_353 = arith.muli %get3A_350, %mul3A_352 : vector<16xi32>
    %add3A_354 = arith.constant 0 : i32
    %add3A_355 = vector.broadcast %add3A_354 : i32 to vector<16xi32>
    %add3A_356 = arith.addi %mul3A_353, %add3A_355 : vector<16xi32>
    %dma_start3A_357 = arith.constant 1 : i32
    %dma_start3A_358 = arith.constant 1 : i32
    %dma_start3A_359 = arith.constant 0 : i32
    %dma_start3A_360 = arith.constant 0 : i32
    %dma_start3A_361 = tpu.memref_slice %arg6[%dma_start3A_357, %dma_start3A_359, %dma_start3A_360] : memref<2x16x2000xf32, #tpu.memory_space<vmem>> -> memref<1x16x2000xf32, #tpu.memory_space<vmem>>
    %dma_start3A_362 = tpu.memref_squeeze %dma_start3A_361 : memref<1x16x2000xf32, #tpu.memory_space<vmem>> -> memref<16x2000xf32, #tpu.memory_space<vmem>>
    %dma_start3A_363 = arith.constant 0 : i32
    %dma_start3A_364 = arith.constant 0 : i32
    %dma_start3A_365 = tpu.memref_slice %arg2[%dma_start3A_363, %dma_start3A_364] : memref<50000x2000xf32, #tpu.memory_space<hbm>> -> memref<50000x2000xf32, #tpu.memory_space<hbm>>
    %dma_start3A_366 = tpu.memref_slice %arg7[%dma_start3A_358] : memref<2x!tpu.dma_semaphore, #tpu.memory_space<semaphore_mem>> -> memref<1x!tpu.dma_semaphore, #tpu.memory_space<semaphore_mem>>
    %dma_start3A_367 = tpu.memref_squeeze %dma_start3A_366 : memref<1x!tpu.dma_semaphore, #tpu.memory_space<semaphore_mem>> -> memref<!tpu.dma_semaphore, #tpu.memory_space<semaphore_mem>>
    tpu.enqueue_indirect_dma source(%dma_start3A_365 : memref<50000x2000xf32, #tpu.memory_space<hbm>>) target(%dma_start3A_362 : memref<16x2000xf32, #tpu.memory_space<vmem>>) offsets(%add3A_356 : vector<16xi32>) semaphore(%dma_start3A_367 : memref<!tpu.dma_semaphore, #tpu.memory_space<semaphore_mem>>)
    %get3A_368 = arith.constant 0 : index
    %get3A_369 = tpu.vector_load %arg5[%get3A_368] {strides = array<i32>} : memref<64xi32, #tpu.memory_space<vmem>>, vector<16xi32>,
    %get3A_370 = vector.shape_cast %get3A_369 : vector<16xi32> to vector<16xi32>
    %mul3A_371 = arith.constant 5 : i32
    %mul3A_372 = vector.broadcast %mul3A_371 : i32 to vector<16xi32>
    %mul3A_373 = arith.muli %get3A_370, %mul3A_372 : vector<16xi32>
    %add3A_374 = arith.constant 4 : i32
    %add3A_375 = vector.broadcast %add3A_374 : i32 to vector<16xi32>
    %add3A_376 = arith.addi %mul3A_373, %add3A_375 : vector<16xi32>
    %dma_wait3A_377 = arith.constant 0 : i32
    %dma_wait3A_378 = arith.constant 0 : i32
    %dma_wait3A_379 = arith.constant 0 : i32
    %dma_wait3A_380 = arith.constant 0 : i32
    %dma_wait3A_381 = tpu.memref_slice %arg6[%dma_wait3A_377, %dma_wait3A_379, %dma_wait3A_380] : memref<2x16x2000xf32, #tpu.memory_space<vmem>> -> memref<1x16x2000xf32, #tpu.memory_space<vmem>>
    %dma_wait3A_382 = tpu.memref_squeeze %dma_wait3A_381 : memref<1x16x2000xf32, #tpu.memory_space<vmem>> -> memref<16x2000xf32, #tpu.memory_space<vmem>>
    %dma_wait3A_383 = arith.constant 0 : i32
    %dma_wait3A_384 = arith.constant 0 : i32
    %dma_wait3A_385 = tpu.memref_slice %arg2[%dma_wait3A_383, %dma_wait3A_384] : memref<50000x2000xf32, #tpu.memory_space<hbm>> -> memref<50000x2000xf32, #tpu.memory_space<hbm>>
    %dma_wait3A_386 = tpu.memref_slice %arg7[%dma_wait3A_378] : memref<2x!tpu.dma_semaphore, #tpu.memory_space<semaphore_mem>> -> memref<1x!tpu.dma_semaphore, #tpu.memory_space<semaphore_mem>>
    %dma_wait3A_387 = tpu.memref_squeeze %dma_wait3A_386 : memref<1x!tpu.dma_semaphore, #tpu.memory_space<semaphore_mem>> -> memref<!tpu.dma_semaphore, #tpu.memory_space<semaphore_mem>>
    tpu.wait_indirect_dma semaphore(%dma_wait3A_387 : memref<!tpu.dma_semaphore, #tpu.memory_space<semaphore_mem>>) src(%dma_wait3A_385 : memref<50000x2000xf32, #tpu.memory_space<hbm>>) dst(%dma_wait3A_382 : memref<16x2000xf32, #tpu.memory_space<vmem>>)
    %add3A_388 = arith.constant 0 : i32
    %add3A_389 = arith.addi %mul3A_2, %add3A_388 : i32
    %add3A_390 = vector.broadcast %add3A_389 : i32 to vector<16xi32>
    %add3A_391 = arith.addi %add3A_390, %iota3A : vector<16xi32>
    %mul3A_392 = arith.constant 5 : i32
    %mul3A_393 = vector.broadcast %mul3A_392 : i32 to vector<16xi32>
    %mul3A_394 = arith.muli %add3A_391, %mul3A_393 : vector<16xi32>
    %add3A_395 = arith.constant 4 : i32
    %add3A_396 = vector.broadcast %add3A_395 : i32 to vector<16xi32>
    %add3A_397 = arith.addi %mul3A_394, %add3A_396 : vector<16xi32>
    %dma_start3A_398 = arith.constant 0 : i32
    %dma_start3A_399 = arith.constant 0 : i32
    %dma_start3A_400 = arith.constant 0 : i32
    %dma_start3A_401 = arith.constant 0 : i32
    %dma_start3A_402 = tpu.memref_slice %arg6[%dma_start3A_398, %dma_start3A_400, %dma_start3A_401] : memref<2x16x2000xf32, #tpu.memory_space<vmem>> -> memref<1x16x2000xf32, #tpu.memory_space<vmem>>
    %dma_start3A_403 = tpu.memref_squeeze %dma_start3A_402 : memref<1x16x2000xf32, #tpu.memory_space<vmem>> -> memref<16x2000xf32, #tpu.memory_space<vmem>>
    %dma_start3A_404 = arith.constant 0 : i32
    %dma_start3A_405 = arith.constant 0 : i32
    %dma_start3A_406 = tpu.memref_slice %arg4[%dma_start3A_404, %dma_start3A_405] : memref<10240x2000xf32, #tpu.memory_space<hbm>> -> memref<10240x2000xf32, #tpu.memory_space<hbm>>
    %dma_start3A_407 = tpu.memref_slice %arg8[%dma_start3A_399] : memref<2x!tpu.dma_semaphore, #tpu.memory_space<semaphore_mem>> -> memref<1x!tpu.dma_semaphore, #tpu.memory_space<semaphore_mem>>
    %dma_start3A_408 = tpu.memref_squeeze %dma_start3A_407 : memref<1x!tpu.dma_semaphore, #tpu.memory_space<semaphore_mem>> -> memref<!tpu.dma_semaphore, #tpu.memory_space<semaphore_mem>>
    tpu.enqueue_indirect_dma source(%dma_start3A_403 : memref<16x2000xf32, #tpu.memory_space<vmem>>) target(%dma_start3A_406 : memref<10240x2000xf32, #tpu.memory_space<hbm>>) offsets(%add3A_397 : vector<16xi32>) semaphore(%dma_start3A_408 : memref<!tpu.dma_semaphore, #tpu.memory_space<semaphore_mem>>)
    %add3A_409 = arith.constant 0 : i32
    %add3A_410 = arith.addi %mul3A_2, %add3A_409 : i32
    %add3A_411 = vector.broadcast %add3A_410 : i32 to vector<16xi32>
    %add3A_412 = arith.addi %add3A_411, %iota3A : vector<16xi32>
    %mul3A_413 = arith.constant 5 : i32
    %mul3A_414 = vector.broadcast %mul3A_413 : i32 to vector<16xi32>
    %mul3A_415 = arith.muli %add3A_412, %mul3A_414 : vector<16xi32>
    %add3A_416 = arith.constant 4 : i32
    %add3A_417 = vector.broadcast %add3A_416 : i32 to vector<16xi32>
    %add3A_418 = arith.addi %mul3A_415, %add3A_417 : vector<16xi32>
    %dma_wait3A_419 = arith.constant 0 : i32
    %dma_wait3A_420 = arith.constant 0 : i32
    %dma_wait3A_421 = arith.constant 0 : i32
    %dma_wait3A_422 = arith.constant 0 : i32
    %dma_wait3A_423 = tpu.memref_slice %arg6[%dma_wait3A_419, %dma_wait3A_421, %dma_wait3A_422] : memref<2x16x2000xf32, #tpu.memory_space<vmem>> -> memref<1x16x2000xf32, #tpu.memory_space<vmem>>
    %dma_wait3A_424 = tpu.memref_squeeze %dma_wait3A_423 : memref<1x16x2000xf32, #tpu.memory_space<vmem>> -> memref<16x2000xf32, #tpu.memory_space<vmem>>
    %dma_wait3A_425 = arith.constant 0 : i32
    %dma_wait3A_426 = arith.constant 0 : i32
    %dma_wait3A_427 = tpu.memref_slice %arg4[%dma_wait3A_425, %dma_wait3A_426] : memref<10240x2000xf32, #tpu.memory_space<hbm>> -> memref<10240x2000xf32, #tpu.memory_space<hbm>>
    %dma_wait3A_428 = tpu.memref_slice %arg8[%dma_wait3A_420] : memref<2x!tpu.dma_semaphore, #tpu.memory_space<semaphore_mem>> -> memref<1x!tpu.dma_semaphore, #tpu.memory_space<semaphore_mem>>
    %dma_wait3A_429 = tpu.memref_squeeze %dma_wait3A_428 : memref<1x!tpu.dma_semaphore, #tpu.memory_space<semaphore_mem>> -> memref<!tpu.dma_semaphore, #tpu.memory_space<semaphore_mem>>
    tpu.wait_indirect_dma semaphore(%dma_wait3A_429 : memref<!tpu.dma_semaphore, #tpu.memory_space<semaphore_mem>>) src(%dma_wait3A_424 : memref<16x2000xf32, #tpu.memory_space<vmem>>) dst(%dma_wait3A_427 : memref<10240x2000xf32, #tpu.memory_space<hbm>>)
    %get3A_430 = arith.constant 16 : index
    %get3A_431 = tpu.vector_load %arg5[%get3A_430] {strides = array<i32>} : memref<64xi32, #tpu.memory_space<vmem>>, vector<16xi32>,
    %get3A_432 = vector.shape_cast %get3A_431 : vector<16xi32> to vector<16xi32>
    %mul3A_433 = arith.constant 5 : i32
    %mul3A_434 = vector.broadcast %mul3A_433 : i32 to vector<16xi32>
    %mul3A_435 = arith.muli %get3A_432, %mul3A_434 : vector<16xi32>
    %add3A_436 = arith.constant 1 : i32
    %add3A_437 = vector.broadcast %add3A_436 : i32 to vector<16xi32>
    %add3A_438 = arith.addi %mul3A_435, %add3A_437 : vector<16xi32>
    %dma_start3A_439 = arith.constant 0 : i32
    %dma_start3A_440 = arith.constant 0 : i32
    %dma_start3A_441 = arith.constant 0 : i32
    %dma_start3A_442 = arith.constant 0 : i32
    %dma_start3A_443 = tpu.memref_slice %arg6[%dma_start3A_439, %dma_start3A_441, %dma_start3A_442] : memref<2x16x2000xf32, #tpu.memory_space<vmem>> -> memref<1x16x2000xf32, #tpu.memory_space<vmem>>
    %dma_start3A_444 = tpu.memref_squeeze %dma_start3A_443 : memref<1x16x2000xf32, #tpu.memory_space<vmem>> -> memref<16x2000xf32, #tpu.memory_space<vmem>>
    %dma_start3A_445 = arith.constant 0 : i32
    %dma_start3A_446 = arith.constant 0 : i32
    %dma_start3A_447 = tpu.memref_slice %arg2[%dma_start3A_445, %dma_start3A_446] : memref<50000x2000xf32, #tpu.memory_space<hbm>> -> memref<50000x2000xf32, #tpu.memory_space<hbm>>
    %dma_start3A_448 = tpu.memref_slice %arg7[%dma_start3A_440] : memref<2x!tpu.dma_semaphore, #tpu.memory_space<semaphore_mem>> -> memref<1x!tpu.dma_semaphore, #tpu.memory_space<semaphore_mem>>
    %dma_start3A_449 = tpu.memref_squeeze %dma_start3A_448 : memref<1x!tpu.dma_semaphore, #tpu.memory_space<semaphore_mem>> -> memref<!tpu.dma_semaphore, #tpu.memory_space<semaphore_mem>>
    tpu.enqueue_indirect_dma source(%dma_start3A_447 : memref<50000x2000xf32, #tpu.memory_space<hbm>>) target(%dma_start3A_444 : memref<16x2000xf32, #tpu.memory_space<vmem>>) offsets(%add3A_438 : vector<16xi32>) semaphore(%dma_start3A_449 : memref<!tpu.dma_semaphore, #tpu.memory_space<semaphore_mem>>)
    %get3A_450 = arith.constant 16 : index
    %get3A_451 = tpu.vector_load %arg5[%get3A_450] {strides = array<i32>} : memref<64xi32, #tpu.memory_space<vmem>>, vector<16xi32>,
    %get3A_452 = vector.shape_cast %get3A_451 : vector<16xi32> to vector<16xi32>
    %mul3A_453 = arith.constant 5 : i32
    %mul3A_454 = vector.broadcast %mul3A_453 : i32 to vector<16xi32>
    %mul3A_455 = arith.muli %get3A_452, %mul3A_454 : vector<16xi32>
    %add3A_456 = arith.constant 0 : i32
    %add3A_457 = vector.broadcast %add3A_456 : i32 to vector<16xi32>
    %add3A_458 = arith.addi %mul3A_455, %add3A_457 : vector<16xi32>
    %dma_wait3A_459 = arith.constant 1 : i32
    %dma_wait3A_460 = arith.constant 1 : i32
    %dma_wait3A_461 = arith.constant 0 : i32
    %dma_wait3A_462 = arith.constant 0 : i32
    %dma_wait3A_463 = tpu.memref_slice %arg6[%dma_wait3A_459, %dma_wait3A_461, %dma_wait3A_462] : memref<2x16x2000xf32, #tpu.memory_space<vmem>> -> memref<1x16x2000xf32, #tpu.memory_space<vmem>>
    %dma_wait3A_464 = tpu.memref_squeeze %dma_wait3A_463 : memref<1x16x2000xf32, #tpu.memory_space<vmem>> -> memref<16x2000xf32, #tpu.memory_space<vmem>>
    %dma_wait3A_465 = arith.constant 0 : i32
    %dma_wait3A_466 = arith.constant 0 : i32
    %dma_wait3A_467 = tpu.memref_slice %arg2[%dma_wait3A_465, %dma_wait3A_466] : memref<50000x2000xf32, #tpu.memory_space<hbm>> -> memref<50000x2000xf32, #tpu.memory_space<hbm>>
    %dma_wait3A_468 = tpu.memref_slice %arg7[%dma_wait3A_460] : memref<2x!tpu.dma_semaphore, #tpu.memory_space<semaphore_mem>> -> memref<1x!tpu.dma_semaphore, #tpu.memory_space<semaphore_mem>>
    %dma_wait3A_469 = tpu.memref_squeeze %dma_wait3A_468 : memref<1x!tpu.dma_semaphore, #tpu.memory_space<semaphore_mem>> -> memref<!tpu.dma_semaphore, #tpu.memory_space<semaphore_mem>>
    tpu.wait_indirect_dma semaphore(%dma_wait3A_469 : memref<!tpu.dma_semaphore, #tpu.memory_space<semaphore_mem>>) src(%dma_wait3A_467 : memref<50000x2000xf32, #tpu.memory_space<hbm>>) dst(%dma_wait3A_464 : memref<16x2000xf32, #tpu.memory_space<vmem>>)
    %add3A_470 = arith.constant 16 : i32
    %add3A_471 = arith.addi %mul3A_2, %add3A_470 : i32
    %add3A_472 = vector.broadcast %add3A_471 : i32 to vector<16xi32>
    %add3A_473 = arith.addi %add3A_472, %iota3A : vector<16xi32>
    %mul3A_474 = arith.constant 5 : i32
    %mul3A_475 = vector.broadcast %mul3A_474 : i32 to vector<16xi32>
    %mul3A_476 = arith.muli %add3A_473, %mul3A_475 : vector<16xi32>
    %add3A_477 = arith.constant 0 : i32
    %add3A_478 = vector.broadcast %add3A_477 : i32 to vector<16xi32>
    %add3A_479 = arith.addi %mul3A_476, %add3A_478 : vector<16xi32>
    %dma_start3A_480 = arith.constant 1 : i32
    %dma_start3A_481 = arith.constant 1 : i32
    %dma_start3A_482 = arith.constant 0 : i32
    %dma_start3A_483 = arith.constant 0 : i32
    %dma_start3A_484 = tpu.memref_slice %arg6[%dma_start3A_480, %dma_start3A_482, %dma_start3A_483] : memref<2x16x2000xf32, #tpu.memory_space<vmem>> -> memref<1x16x2000xf32, #tpu.memory_space<vmem>>
    %dma_start3A_485 = tpu.memref_squeeze %dma_start3A_484 : memref<1x16x2000xf32, #tpu.memory_space<vmem>> -> memref<16x2000xf32, #tpu.memory_space<vmem>>
    %dma_start3A_486 = arith.constant 0 : i32
    %dma_start3A_487 = arith.constant 0 : i32
    %dma_start3A_488 = tpu.memref_slice %arg4[%dma_start3A_486, %dma_start3A_487] : memref<10240x2000xf32, #tpu.memory_space<hbm>> -> memref<10240x2000xf32, #tpu.memory_space<hbm>>
    %dma_start3A_489 = tpu.memref_slice %arg8[%dma_start3A_481] : memref<2x!tpu.dma_semaphore, #tpu.memory_space<semaphore_mem>> -> memref<1x!tpu.dma_semaphore, #tpu.memory_space<semaphore_mem>>
    %dma_start3A_490 = tpu.memref_squeeze %dma_start3A_489 : memref<1x!tpu.dma_semaphore, #tpu.memory_space<semaphore_mem>> -> memref<!tpu.dma_semaphore, #tpu.memory_space<semaphore_mem>>
    tpu.enqueue_indirect_dma source(%dma_start3A_485 : memref<16x2000xf32, #tpu.memory_space<vmem>>) target(%dma_start3A_488 : memref<10240x2000xf32, #tpu.memory_space<hbm>>) offsets(%add3A_479 : vector<16xi32>) semaphore(%dma_start3A_490 : memref<!tpu.dma_semaphore, #tpu.memory_space<semaphore_mem>>)
    %add3A_491 = arith.constant 16 : i32
    %add3A_492 = arith.addi %mul3A_2, %add3A_491 : i32
    %add3A_493 = vector.broadcast %add3A_492 : i32 to vector<16xi32>
    %add3A_494 = arith.addi %add3A_493, %iota3A : vector<16xi32>
    %mul3A_495 = arith.constant 5 : i32
    %mul3A_496 = vector.broadcast %mul3A_495 : i32 to vector<16xi32>
    %mul3A_497 = arith.muli %add3A_494, %mul3A_496 : vector<16xi32>
    %add3A_498 = arith.constant 0 : i32
    %add3A_499 = vector.broadcast %add3A_498 : i32 to vector<16xi32>
    %add3A_500 = arith.addi %mul3A_497, %add3A_499 : vector<16xi32>
    %dma_wait3A_501 = arith.constant 1 : i32
    %dma_wait3A_502 = arith.constant 1 : i32
    %dma_wait3A_503 = arith.constant 0 : i32
    %dma_wait3A_504 = arith.constant 0 : i32
    %dma_wait3A_505 = tpu.memref_slice %arg6[%dma_wait3A_501, %dma_wait3A_503, %dma_wait3A_504] : memref<2x16x2000xf32, #tpu.memory_space<vmem>> -> memref<1x16x2000xf32, #tpu.memory_space<vmem>>
    %dma_wait3A_506 = tpu.memref_squeeze %dma_wait3A_505 : memref<1x16x2000xf32, #tpu.memory_space<vmem>> -> memref<16x2000xf32, #tpu.memory_space<vmem>>
    %dma_wait3A_507 = arith.constant 0 : i32
    %dma_wait3A_508 = arith.constant 0 : i32
    %dma_wait3A_509 = tpu.memref_slice %arg4[%dma_wait3A_507, %dma_wait3A_508] : memref<10240x2000xf32, #tpu.memory_space<hbm>> -> memref<10240x2000xf32, #tpu.memory_space<hbm>>
    %dma_wait3A_510 = tpu.memref_slice %arg8[%dma_wait3A_502] : memref<2x!tpu.dma_semaphore, #tpu.memory_space<semaphore_mem>> -> memref<1x!tpu.dma_semaphore, #tpu.memory_space<semaphore_mem>>
    %dma_wait3A_511 = tpu.memref_squeeze %dma_wait3A_510 : memref<1x!tpu.dma_semaphore, #tpu.memory_space<semaphore_mem>> -> memref<!tpu.dma_semaphore, #tpu.memory_space<semaphore_mem>>
    tpu.wait_indirect_dma semaphore(%dma_wait3A_511 : memref<!tpu.dma_semaphore, #tpu.memory_space<semaphore_mem>>) src(%dma_wait3A_506 : memref<16x2000xf32, #tpu.memory_space<vmem>>) dst(%dma_wait3A_509 : memref<10240x2000xf32, #tpu.memory_space<hbm>>)
    %get3A_512 = arith.constant 16 : index
    %get3A_513 = tpu.vector_load %arg5[%get3A_512] {strides = array<i32>} : memref<64xi32, #tpu.memory_space<vmem>>, vector<16xi32>,
    %get3A_514 = vector.shape_cast %get3A_513 : vector<16xi32> to vector<16xi32>
    %mul3A_515 = arith.constant 5 : i32
    %mul3A_516 = vector.broadcast %mul3A_515 : i32 to vector<16xi32>
    %mul3A_517 = arith.muli %get3A_514, %mul3A_516 : vector<16xi32>
    %add3A_518 = arith.constant 2 : i32
    %add3A_519 = vector.broadcast %add3A_518 : i32 to vector<16xi32>
    %add3A_520 = arith.addi %mul3A_517, %add3A_519 : vector<16xi32>
    %dma_start3A_521 = arith.constant 1 : i32
    %dma_start3A_522 = arith.constant 1 : i32
    %dma_start3A_523 = arith.constant 0 : i32
    %dma_start3A_524 = arith.constant 0 : i32
    %dma_start3A_525 = tpu.memref_slice %arg6[%dma_start3A_521, %dma_start3A_523, %dma_start3A_524] : memref<2x16x2000xf32, #tpu.memory_space<vmem>> -> memref<1x16x2000xf32, #tpu.memory_space<vmem>>
    %dma_start3A_526 = tpu.memref_squeeze %dma_start3A_525 : memref<1x16x2000xf32, #tpu.memory_space<vmem>> -> memref<16x2000xf32, #tpu.memory_space<vmem>>
    %dma_start3A_527 = arith.constant 0 : i32
    %dma_start3A_528 = arith.constant 0 : i32
    %dma_start3A_529 = tpu.memref_slice %arg2[%dma_start3A_527, %dma_start3A_528] : memref<50000x2000xf32, #tpu.memory_space<hbm>> -> memref<50000x2000xf32, #tpu.memory_space<hbm>>
    %dma_start3A_530 = tpu.memref_slice %arg7[%dma_start3A_522] : memref<2x!tpu.dma_semaphore, #tpu.memory_space<semaphore_mem>> -> memref<1x!tpu.dma_semaphore, #tpu.memory_space<semaphore_mem>>
    %dma_start3A_531 = tpu.memref_squeeze %dma_start3A_530 : memref<1x!tpu.dma_semaphore, #tpu.memory_space<semaphore_mem>> -> memref<!tpu.dma_semaphore, #tpu.memory_space<semaphore_mem>>
    tpu.enqueue_indirect_dma source(%dma_start3A_529 : memref<50000x2000xf32, #tpu.memory_space<hbm>>) target(%dma_start3A_526 : memref<16x2000xf32, #tpu.memory_space<vmem>>) offsets(%add3A_520 : vector<16xi32>) semaphore(%dma_start3A_531 : memref<!tpu.dma_semaphore, #tpu.memory_space<semaphore_mem>>)
    %get3A_532 = arith.constant 16 : index
    %get3A_533 = tpu.vector_load %arg5[%get3A_532] {strides = array<i32>} : memref<64xi32, #tpu.memory_space<vmem>>, vector<16xi32>,
    %get3A_534 = vector.shape_cast %get3A_533 : vector<16xi32> to vector<16xi32>
    %mul3A_535 = arith.constant 5 : i32
    %mul3A_536 = vector.broadcast %mul3A_535 : i32 to vector<16xi32>
    %mul3A_537 = arith.muli %get3A_534, %mul3A_536 : vector<16xi32>
    %add3A_538 = arith.constant 1 : i32
    %add3A_539 = vector.broadcast %add3A_538 : i32 to vector<16xi32>
    %add3A_540 = arith.addi %mul3A_537, %add3A_539 : vector<16xi32>
    %dma_wait3A_541 = arith.constant 0 : i32
    %dma_wait3A_542 = arith.constant 0 : i32
    %dma_wait3A_543 = arith.constant 0 : i32
    %dma_wait3A_544 = arith.constant 0 : i32
    %dma_wait3A_545 = tpu.memref_slice %arg6[%dma_wait3A_541, %dma_wait3A_543, %dma_wait3A_544] : memref<2x16x2000xf32, #tpu.memory_space<vmem>> -> memref<1x16x2000xf32, #tpu.memory_space<vmem>>
    %dma_wait3A_546 = tpu.memref_squeeze %dma_wait3A_545 : memref<1x16x2000xf32, #tpu.memory_space<vmem>> -> memref<16x2000xf32, #tpu.memory_space<vmem>>
    %dma_wait3A_547 = arith.constant 0 : i32
    %dma_wait3A_548 = arith.constant 0 : i32
    %dma_wait3A_549 = tpu.memref_slice %arg2[%dma_wait3A_547, %dma_wait3A_548] : memref<50000x2000xf32, #tpu.memory_space<hbm>> -> memref<50000x2000xf32, #tpu.memory_space<hbm>>
    %dma_wait3A_550 = tpu.memref_slice %arg7[%dma_wait3A_542] : memref<2x!tpu.dma_semaphore, #tpu.memory_space<semaphore_mem>> -> memref<1x!tpu.dma_semaphore, #tpu.memory_space<semaphore_mem>>
    %dma_wait3A_551 = tpu.memref_squeeze %dma_wait3A_550 : memref<1x!tpu.dma_semaphore, #tpu.memory_space<semaphore_mem>> -> memref<!tpu.dma_semaphore, #tpu.memory_space<semaphore_mem>>
    tpu.wait_indirect_dma semaphore(%dma_wait3A_551 : memref<!tpu.dma_semaphore, #tpu.memory_space<semaphore_mem>>) src(%dma_wait3A_549 : memref<50000x2000xf32, #tpu.memory_space<hbm>>) dst(%dma_wait3A_546 : memref<16x2000xf32, #tpu.memory_space<vmem>>)
    %add3A_552 = arith.constant 16 : i32
    %add3A_553 = arith.addi %mul3A_2, %add3A_552 : i32
    %add3A_554 = vector.broadcast %add3A_553 : i32 to vector<16xi32>
    %add3A_555 = arith.addi %add3A_554, %iota3A : vector<16xi32>
    %mul3A_556 = arith.constant 5 : i32
    %mul3A_557 = vector.broadcast %mul3A_556 : i32 to vector<16xi32>
    %mul3A_558 = arith.muli %add3A_555, %mul3A_557 : vector<16xi32>
    %add3A_559 = arith.constant 1 : i32
    %add3A_560 = vector.broadcast %add3A_559 : i32 to vector<16xi32>
    %add3A_561 = arith.addi %mul3A_558, %add3A_560 : vector<16xi32>
    %dma_start3A_562 = arith.constant 0 : i32
    %dma_start3A_563 = arith.constant 0 : i32
    %dma_start3A_564 = arith.constant 0 : i32
    %dma_start3A_565 = arith.constant 0 : i32
    %dma_start3A_566 = tpu.memref_slice %arg6[%dma_start3A_562, %dma_start3A_564, %dma_start3A_565] : memref<2x16x2000xf32, #tpu.memory_space<vmem>> -> memref<1x16x2000xf32, #tpu.memory_space<vmem>>
    %dma_start3A_567 = tpu.memref_squeeze %dma_start3A_566 : memref<1x16x2000xf32, #tpu.memory_space<vmem>> -> memref<16x2000xf32, #tpu.memory_space<vmem>>
    %dma_start3A_568 = arith.constant 0 : i32
    %dma_start3A_569 = arith.constant 0 : i32
    %dma_start3A_570 = tpu.memref_slice %arg4[%dma_start3A_568, %dma_start3A_569] : memref<10240x2000xf32, #tpu.memory_space<hbm>> -> memref<10240x2000xf32, #tpu.memory_space<hbm>>
    %dma_start3A_571 = tpu.memref_slice %arg8[%dma_start3A_563] : memref<2x!tpu.dma_semaphore, #tpu.memory_space<semaphore_mem>> -> memref<1x!tpu.dma_semaphore, #tpu.memory_space<semaphore_mem>>
    %dma_start3A_572 = tpu.memref_squeeze %dma_start3A_571 : memref<1x!tpu.dma_semaphore, #tpu.memory_space<semaphore_mem>> -> memref<!tpu.dma_semaphore, #tpu.memory_space<semaphore_mem>>
    tpu.enqueue_indirect_dma source(%dma_start3A_567 : memref<16x2000xf32, #tpu.memory_space<vmem>>) target(%dma_start3A_570 : memref<10240x2000xf32, #tpu.memory_space<hbm>>) offsets(%add3A_561 : vector<16xi32>) semaphore(%dma_start3A_572 : memref<!tpu.dma_semaphore, #tpu.memory_space<semaphore_mem>>)
    %add3A_573 = arith.constant 16 : i32
    %add3A_574 = arith.addi %mul3A_2, %add3A_573 : i32
    %add3A_575 = vector.broadcast %add3A_574 : i32 to vector<16xi32>
    %add3A_576 = arith.addi %add3A_575, %iota3A : vector<16xi32>
    %mul3A_577 = arith.constant 5 : i32
    %mul3A_578 = vector.broadcast %mul3A_577 : i32 to vector<16xi32>
    %mul3A_579 = arith.muli %add3A_576, %mul3A_578 : vector<16xi32>
    %add3A_580 = arith.constant 1 : i32
    %add3A_581 = vector.broadcast %add3A_580 : i32 to vector<16xi32>
    %add3A_582 = arith.addi %mul3A_579, %add3A_581 : vector<16xi32>
    %dma_wait3A_583 = arith.constant 0 : i32
    %dma_wait3A_584 = arith.constant 0 : i32
    %dma_wait3A_585 = arith.constant 0 : i32
    %dma_wait3A_586 = arith.constant 0 : i32
    %dma_wait3A_587 = tpu.memref_slice %arg6[%dma_wait3A_583, %dma_wait3A_585, %dma_wait3A_586] : memref<2x16x2000xf32, #tpu.memory_space<vmem>> -> memref<1x16x2000xf32, #tpu.memory_space<vmem>>
    %dma_wait3A_588 = tpu.memref_squeeze %dma_wait3A_587 : memref<1x16x2000xf32, #tpu.memory_space<vmem>> -> memref<16x2000xf32, #tpu.memory_space<vmem>>
    %dma_wait3A_589 = arith.constant 0 : i32
    %dma_wait3A_590 = arith.constant 0 : i32
    %dma_wait3A_591 = tpu.memref_slice %arg4[%dma_wait3A_589, %dma_wait3A_590] : memref<10240x2000xf32, #tpu.memory_space<hbm>> -> memref<10240x2000xf32, #tpu.memory_space<hbm>>
    %dma_wait3A_592 = tpu.memref_slice %arg8[%dma_wait3A_584] : memref<2x!tpu.dma_semaphore, #tpu.memory_space<semaphore_mem>> -> memref<1x!tpu.dma_semaphore, #tpu.memory_space<semaphore_mem>>
    %dma_wait3A_593 = tpu.memref_squeeze %dma_wait3A_592 : memref<1x!tpu.dma_semaphore, #tpu.memory_space<semaphore_mem>> -> memref<!tpu.dma_semaphore, #tpu.memory_space<semaphore_mem>>
    tpu.wait_indirect_dma semaphore(%dma_wait3A_593 : memref<!tpu.dma_semaphore, #tpu.memory_space<semaphore_mem>>) src(%dma_wait3A_588 : memref<16x2000xf32, #tpu.memory_space<vmem>>) dst(%dma_wait3A_591 : memref<10240x2000xf32, #tpu.memory_space<hbm>>)
    %get3A_594 = arith.constant 16 : index
    %get3A_595 = tpu.vector_load %arg5[%get3A_594] {strides = array<i32>} : memref<64xi32, #tpu.memory_space<vmem>>, vector<16xi32>,
    %get3A_596 = vector.shape_cast %get3A_595 : vector<16xi32> to vector<16xi32>
    %mul3A_597 = arith.constant 5 : i32
    %mul3A_598 = vector.broadcast %mul3A_597 : i32 to vector<16xi32>
    %mul3A_599 = arith.muli %get3A_596, %mul3A_598 : vector<16xi32>
    %add3A_600 = arith.constant 3 : i32
    %add3A_601 = vector.broadcast %add3A_600 : i32 to vector<16xi32>
    %add3A_602 = arith.addi %mul3A_599, %add3A_601 : vector<16xi32>
    %dma_start3A_603 = arith.constant 0 : i32
    %dma_start3A_604 = arith.constant 0 : i32
    %dma_start3A_605 = arith.constant 0 : i32
    %dma_start3A_606 = arith.constant 0 : i32
    %dma_start3A_607 = tpu.memref_slice %arg6[%dma_start3A_603, %dma_start3A_605, %dma_start3A_606] : memref<2x16x2000xf32, #tpu.memory_space<vmem>> -> memref<1x16x2000xf32, #tpu.memory_space<vmem>>
    %dma_start3A_608 = tpu.memref_squeeze %dma_start3A_607 : memref<1x16x2000xf32, #tpu.memory_space<vmem>> -> memref<16x2000xf32, #tpu.memory_space<vmem>>
    %dma_start3A_609 = arith.constant 0 : i32
    %dma_start3A_610 = arith.constant 0 : i32
    %dma_start3A_611 = tpu.memref_slice %arg2[%dma_start3A_609, %dma_start3A_610] : memref<50000x2000xf32, #tpu.memory_space<hbm>> -> memref<50000x2000xf32, #tpu.memory_space<hbm>>
    %dma_start3A_612 = tpu.memref_slice %arg7[%dma_start3A_604] : memref<2x!tpu.dma_semaphore, #tpu.memory_space<semaphore_mem>> -> memref<1x!tpu.dma_semaphore, #tpu.memory_space<semaphore_mem>>
    %dma_start3A_613 = tpu.memref_squeeze %dma_start3A_612 : memref<1x!tpu.dma_semaphore, #tpu.memory_space<semaphore_mem>> -> memref<!tpu.dma_semaphore, #tpu.memory_space<semaphore_mem>>
    tpu.enqueue_indirect_dma source(%dma_start3A_611 : memref<50000x2000xf32, #tpu.memory_space<hbm>>) target(%dma_start3A_608 : memref<16x2000xf32, #tpu.memory_space<vmem>>) offsets(%add3A_602 : vector<16xi32>) semaphore(%dma_start3A_613 : memref<!tpu.dma_semaphore, #tpu.memory_space<semaphore_mem>>)
    %get3A_614 = arith.constant 16 : index
    %get3A_615 = tpu.vector_load %arg5[%get3A_614] {strides = array<i32>} : memref<64xi32, #tpu.memory_space<vmem>>, vector<16xi32>,
    %get3A_616 = vector.shape_cast %get3A_615 : vector<16xi32> to vector<16xi32>
    %mul3A_617 = arith.constant 5 : i32
    %mul3A_618 = vector.broadcast %mul3A_617 : i32 to vector<16xi32>
    %mul3A_619 = arith.muli %get3A_616, %mul3A_618 : vector<16xi32>
    %add3A_620 = arith.constant 2 : i32
    %add3A_621 = vector.broadcast %add3A_620 : i32 to vector<16xi32>
    %add3A_622 = arith.addi %mul3A_619, %add3A_621 : vector<16xi32>
    %dma_wait3A_623 = arith.constant 1 : i32
    %dma_wait3A_624 = arith.constant 1 : i32
    %dma_wait3A_625 = arith.constant 0 : i32
    %dma_wait3A_626 = arith.constant 0 : i32
    %dma_wait3A_627 = tpu.memref_slice %arg6[%dma_wait3A_623, %dma_wait3A_625, %dma_wait3A_626] : memref<2x16x2000xf32, #tpu.memory_space<vmem>> -> memref<1x16x2000xf32, #tpu.memory_space<vmem>>
    %dma_wait3A_628 = tpu.memref_squeeze %dma_wait3A_627 : memref<1x16x2000xf32, #tpu.memory_space<vmem>> -> memref<16x2000xf32, #tpu.memory_space<vmem>>
    %dma_wait3A_629 = arith.constant 0 : i32
    %dma_wait3A_630 = arith.constant 0 : i32
    %dma_wait3A_631 = tpu.memref_slice %arg2[%dma_wait3A_629, %dma_wait3A_630] : memref<50000x2000xf32, #tpu.memory_space<hbm>> -> memref<50000x2000xf32, #tpu.memory_space<hbm>>
    %dma_wait3A_632 = tpu.memref_slice %arg7[%dma_wait3A_624] : memref<2x!tpu.dma_semaphore, #tpu.memory_space<semaphore_mem>> -> memref<1x!tpu.dma_semaphore, #tpu.memory_space<semaphore_mem>>
    %dma_wait3A_633 = tpu.memref_squeeze %dma_wait3A_632 : memref<1x!tpu.dma_semaphore, #tpu.memory_space<semaphore_mem>> -> memref<!tpu.dma_semaphore, #tpu.memory_space<semaphore_mem>>
    tpu.wait_indirect_dma semaphore(%dma_wait3A_633 : memref<!tpu.dma_semaphore, #tpu.memory_space<semaphore_mem>>) src(%dma_wait3A_631 : memref<50000x2000xf32, #tpu.memory_space<hbm>>) dst(%dma_wait3A_628 : memref<16x2000xf32, #tpu.memory_space<vmem>>)
    %add3A_634 = arith.constant 16 : i32
    %add3A_635 = arith.addi %mul3A_2, %add3A_634 : i32
    %add3A_636 = vector.broadcast %add3A_635 : i32 to vector<16xi32>
    %add3A_637 = arith.addi %add3A_636, %iota3A : vector<16xi32>
    %mul3A_638 = arith.constant 5 : i32
    %mul3A_639 = vector.broadcast %mul3A_638 : i32 to vector<16xi32>
    %mul3A_640 = arith.muli %add3A_637, %mul3A_639 : vector<16xi32>
    %add3A_641 = arith.constant 2 : i32
    %add3A_642 = vector.broadcast %add3A_641 : i32 to vector<16xi32>
    %add3A_643 = arith.addi %mul3A_640, %add3A_642 : vector<16xi32>
    %dma_start3A_644 = arith.constant 1 : i32
    %dma_start3A_645 = arith.constant 1 : i32
    %dma_start3A_646 = arith.constant 0 : i32
    %dma_start3A_647 = arith.constant 0 : i32
    %dma_start3A_648 = tpu.memref_slice %arg6[%dma_start3A_644, %dma_start3A_646, %dma_start3A_647] : memref<2x16x2000xf32, #tpu.memory_space<vmem>> -> memref<1x16x2000xf32, #tpu.memory_space<vmem>>
    %dma_start3A_649 = tpu.memref_squeeze %dma_start3A_648 : memref<1x16x2000xf32, #tpu.memory_space<vmem>> -> memref<16x2000xf32, #tpu.memory_space<vmem>>
    %dma_start3A_650 = arith.constant 0 : i32
    %dma_start3A_651 = arith.constant 0 : i32
    %dma_start3A_652 = tpu.memref_slice %arg4[%dma_start3A_650, %dma_start3A_651] : memref<10240x2000xf32, #tpu.memory_space<hbm>> -> memref<10240x2000xf32, #tpu.memory_space<hbm>>
    %dma_start3A_653 = tpu.memref_slice %arg8[%dma_start3A_645] : memref<2x!tpu.dma_semaphore, #tpu.memory_space<semaphore_mem>> -> memref<1x!tpu.dma_semaphore, #tpu.memory_space<semaphore_mem>>
    %dma_start3A_654 = tpu.memref_squeeze %dma_start3A_653 : memref<1x!tpu.dma_semaphore, #tpu.memory_space<semaphore_mem>> -> memref<!tpu.dma_semaphore, #tpu.memory_space<semaphore_mem>>
    tpu.enqueue_indirect_dma source(%dma_start3A_649 : memref<16x2000xf32, #tpu.memory_space<vmem>>) target(%dma_start3A_652 : memref<10240x2000xf32, #tpu.memory_space<hbm>>) offsets(%add3A_643 : vector<16xi32>) semaphore(%dma_start3A_654 : memref<!tpu.dma_semaphore, #tpu.memory_space<semaphore_mem>>)
    %add3A_655 = arith.constant 16 : i32
    %add3A_656 = arith.addi %mul3A_2, %add3A_655 : i32
    %add3A_657 = vector.broadcast %add3A_656 : i32 to vector<16xi32>
    %add3A_658 = arith.addi %add3A_657, %iota3A : vector<16xi32>
    %mul3A_659 = arith.constant 5 : i32
    %mul3A_660 = vector.broadcast %mul3A_659 : i32 to vector<16xi32>
    %mul3A_661 = arith.muli %add3A_658, %mul3A_660 : vector<16xi32>
    %add3A_662 = arith.constant 2 : i32
    %add3A_663 = vector.broadcast %add3A_662 : i32 to vector<16xi32>
    %add3A_664 = arith.addi %mul3A_661, %add3A_663 : vector<16xi32>
    %dma_wait3A_665 = arith.constant 1 : i32
    %dma_wait3A_666 = arith.constant 1 : i32
    %dma_wait3A_667 = arith.constant 0 : i32
    %dma_wait3A_668 = arith.constant 0 : i32
    %dma_wait3A_669 = tpu.memref_slice %arg6[%dma_wait3A_665, %dma_wait3A_667, %dma_wait3A_668] : memref<2x16x2000xf32, #tpu.memory_space<vmem>> -> memref<1x16x2000xf32, #tpu.memory_space<vmem>>
    %dma_wait3A_670 = tpu.memref_squeeze %dma_wait3A_669 : memref<1x16x2000xf32, #tpu.memory_space<vmem>> -> memref<16x2000xf32, #tpu.memory_space<vmem>>
    %dma_wait3A_671 = arith.constant 0 : i32
    %dma_wait3A_672 = arith.constant 0 : i32
    %dma_wait3A_673 = tpu.memref_slice %arg4[%dma_wait3A_671, %dma_wait3A_672] : memref<10240x2000xf32, #tpu.memory_space<hbm>> -> memref<10240x2000xf32, #tpu.memory_space<hbm>>
    %dma_wait3A_674 = tpu.memref_slice %arg8[%dma_wait3A_666] : memref<2x!tpu.dma_semaphore, #tpu.memory_space<semaphore_mem>> -> memref<1x!tpu.dma_semaphore, #tpu.memory_space<semaphore_mem>>
    %dma_wait3A_675 = tpu.memref_squeeze %dma_wait3A_674 : memref<1x!tpu.dma_semaphore, #tpu.memory_space<semaphore_mem>> -> memref<!tpu.dma_semaphore, #tpu.memory_space<semaphore_mem>>
    tpu.wait_indirect_dma semaphore(%dma_wait3A_675 : memref<!tpu.dma_semaphore, #tpu.memory_space<semaphore_mem>>) src(%dma_wait3A_670 : memref<16x2000xf32, #tpu.memory_space<vmem>>) dst(%dma_wait3A_673 : memref<10240x2000xf32, #tpu.memory_space<hbm>>)
    %get3A_676 = arith.constant 16 : index
    %get3A_677 = tpu.vector_load %arg5[%get3A_676] {strides = array<i32>} : memref<64xi32, #tpu.memory_space<vmem>>, vector<16xi32>,
    %get3A_678 = vector.shape_cast %get3A_677 : vector<16xi32> to vector<16xi32>
    %mul3A_679 = arith.constant 5 : i32
    %mul3A_680 = vector.broadcast %mul3A_679 : i32 to vector<16xi32>
    %mul3A_681 = arith.muli %get3A_678, %mul3A_680 : vector<16xi32>
    %add3A_682 = arith.constant 4 : i32
    %add3A_683 = vector.broadcast %add3A_682 : i32 to vector<16xi32>
    %add3A_684 = arith.addi %mul3A_681, %add3A_683 : vector<16xi32>
    %dma_start3A_685 = arith.constant 1 : i32
    %dma_start3A_686 = arith.constant 1 : i32
    %dma_start3A_687 = arith.constant 0 : i32
    %dma_start3A_688 = arith.constant 0 : i32
    %dma_start3A_689 = tpu.memref_slice %arg6[%dma_start3A_685, %dma_start3A_687, %dma_start3A_688] : memref<2x16x2000xf32, #tpu.memory_space<vmem>> -> memref<1x16x2000xf32, #tpu.memory_space<vmem>>
    %dma_start3A_690 = tpu.memref_squeeze %dma_start3A_689 : memref<1x16x2000xf32, #tpu.memory_space<vmem>> -> memref<16x2000xf32, #tpu.memory_space<vmem>>
    %dma_start3A_691 = arith.constant 0 : i32
    %dma_start3A_692 = arith.constant 0 : i32
    %dma_start3A_693 = tpu.memref_slice %arg2[%dma_start3A_691, %dma_start3A_692] : memref<50000x2000xf32, #tpu.memory_space<hbm>> -> memref<50000x2000xf32, #tpu.memory_space<hbm>>
    %dma_start3A_694 = tpu.memref_slice %arg7[%dma_start3A_686] : memref<2x!tpu.dma_semaphore, #tpu.memory_space<semaphore_mem>> -> memref<1x!tpu.dma_semaphore, #tpu.memory_space<semaphore_mem>>
    %dma_start3A_695 = tpu.memref_squeeze %dma_start3A_694 : memref<1x!tpu.dma_semaphore, #tpu.memory_space<semaphore_mem>> -> memref<!tpu.dma_semaphore, #tpu.memory_space<semaphore_mem>>
    tpu.enqueue_indirect_dma source(%dma_start3A_693 : memref<50000x2000xf32, #tpu.memory_space<hbm>>) target(%dma_start3A_690 : memref<16x2000xf32, #tpu.memory_space<vmem>>) offsets(%add3A_684 : vector<16xi32>) semaphore(%dma_start3A_695 : memref<!tpu.dma_semaphore, #tpu.memory_space<semaphore_mem>>)
    %get3A_696 = arith.constant 16 : index
    %get3A_697 = tpu.vector_load %arg5[%get3A_696] {strides = array<i32>} : memref<64xi32, #tpu.memory_space<vmem>>, vector<16xi32>,
    %get3A_698 = vector.shape_cast %get3A_697 : vector<16xi32> to vector<16xi32>
    %mul3A_699 = arith.constant 5 : i32
    %mul3A_700 = vector.broadcast %mul3A_699 : i32 to vector<16xi32>
    %mul3A_701 = arith.muli %get3A_698, %mul3A_700 : vector<16xi32>
    %add3A_702 = arith.constant 3 : i32
    %add3A_703 = vector.broadcast %add3A_702 : i32 to vector<16xi32>
    %add3A_704 = arith.addi %mul3A_701, %add3A_703 : vector<16xi32>
    %dma_wait3A_705 = arith.constant 0 : i32
    %dma_wait3A_706 = arith.constant 0 : i32
    %dma_wait3A_707 = arith.constant 0 : i32
    %dma_wait3A_708 = arith.constant 0 : i32
    %dma_wait3A_709 = tpu.memref_slice %arg6[%dma_wait3A_705, %dma_wait3A_707, %dma_wait3A_708] : memref<2x16x2000xf32, #tpu.memory_space<vmem>> -> memref<1x16x2000xf32, #tpu.memory_space<vmem>>
    %dma_wait3A_710 = tpu.memref_squeeze %dma_wait3A_709 : memref<1x16x2000xf32, #tpu.memory_space<vmem>> -> memref<16x2000xf32, #tpu.memory_space<vmem>>
    %dma_wait3A_711 = arith.constant 0 : i32
    %dma_wait3A_712 = arith.constant 0 : i32
    %dma_wait3A_713 = tpu.memref_slice %arg2[%dma_wait3A_711, %dma_wait3A_712] : memref<50000x2000xf32, #tpu.memory_space<hbm>> -> memref<50000x2000xf32, #tpu.memory_space<hbm>>
    %dma_wait3A_714 = tpu.memref_slice %arg7[%dma_wait3A_706] : memref<2x!tpu.dma_semaphore, #tpu.memory_space<semaphore_mem>> -> memref<1x!tpu.dma_semaphore, #tpu.memory_space<semaphore_mem>>
    %dma_wait3A_715 = tpu.memref_squeeze %dma_wait3A_714 : memref<1x!tpu.dma_semaphore, #tpu.memory_space<semaphore_mem>> -> memref<!tpu.dma_semaphore, #tpu.memory_space<semaphore_mem>>
    tpu.wait_indirect_dma semaphore(%dma_wait3A_715 : memref<!tpu.dma_semaphore, #tpu.memory_space<semaphore_mem>>) src(%dma_wait3A_713 : memref<50000x2000xf32, #tpu.memory_space<hbm>>) dst(%dma_wait3A_710 : memref<16x2000xf32, #tpu.memory_space<vmem>>)
    %add3A_716 = arith.constant 16 : i32
    %add3A_717 = arith.addi %mul3A_2, %add3A_716 : i32
    %add3A_718 = vector.broadcast %add3A_717 : i32 to vector<16xi32>
    %add3A_719 = arith.addi %add3A_718, %iota3A : vector<16xi32>
    %mul3A_720 = arith.constant 5 : i32
    %mul3A_721 = vector.broadcast %mul3A_720 : i32 to vector<16xi32>
    %mul3A_722 = arith.muli %add3A_719, %mul3A_721 : vector<16xi32>
    %add3A_723 = arith.constant 3 : i32
    %add3A_724 = vector.broadcast %add3A_723 : i32 to vector<16xi32>
    %add3A_725 = arith.addi %mul3A_722, %add3A_724 : vector<16xi32>
    %dma_start3A_726 = arith.constant 0 : i32
    %dma_start3A_727 = arith.constant 0 : i32
    %dma_start3A_728 = arith.constant 0 : i32
    %dma_start3A_729 = arith.constant 0 : i32
    %dma_start3A_730 = tpu.memref_slice %arg6[%dma_start3A_726, %dma_start3A_728, %dma_start3A_729] : memref<2x16x2000xf32, #tpu.memory_space<vmem>> -> memref<1x16x2000xf32, #tpu.memory_space<vmem>>
    %dma_start3A_731 = tpu.memref_squeeze %dma_start3A_730 : memref<1x16x2000xf32, #tpu.memory_space<vmem>> -> memref<16x2000xf32, #tpu.memory_space<vmem>>
    %dma_start3A_732 = arith.constant 0 : i32
    %dma_start3A_733 = arith.constant 0 : i32
    %dma_start3A_734 = tpu.memref_slice %arg4[%dma_start3A_732, %dma_start3A_733] : memref<10240x2000xf32, #tpu.memory_space<hbm>> -> memref<10240x2000xf32, #tpu.memory_space<hbm>>
    %dma_start3A_735 = tpu.memref_slice %arg8[%dma_start3A_727] : memref<2x!tpu.dma_semaphore, #tpu.memory_space<semaphore_mem>> -> memref<1x!tpu.dma_semaphore, #tpu.memory_space<semaphore_mem>>
    %dma_start3A_736 = tpu.memref_squeeze %dma_start3A_735 : memref<1x!tpu.dma_semaphore, #tpu.memory_space<semaphore_mem>> -> memref<!tpu.dma_semaphore, #tpu.memory_space<semaphore_mem>>
    tpu.enqueue_indirect_dma source(%dma_start3A_731 : memref<16x2000xf32, #tpu.memory_space<vmem>>) target(%dma_start3A_734 : memref<10240x2000xf32, #tpu.memory_space<hbm>>) offsets(%add3A_725 : vector<16xi32>) semaphore(%dma_start3A_736 : memref<!tpu.dma_semaphore, #tpu.memory_space<semaphore_mem>>)
    %add3A_737 = arith.constant 16 : i32
    %add3A_738 = arith.addi %mul3A_2, %add3A_737 : i32
    %add3A_739 = vector.broadcast %add3A_738 : i32 to vector<16xi32>
    %add3A_740 = arith.addi %add3A_739, %iota3A : vector<16xi32>
    %mul3A_741 = arith.constant 5 : i32
    %mul3A_742 = vector.broadcast %mul3A_741 : i32 to vector<16xi32>
    %mul3A_743 = arith.muli %add3A_740, %mul3A_742 : vector<16xi32>
    %add3A_744 = arith.constant 3 : i32
    %add3A_745 = vector.broadcast %add3A_744 : i32 to vector<16xi32>
    %add3A_746 = arith.addi %mul3A_743, %add3A_745 : vector<16xi32>
    %dma_wait3A_747 = arith.constant 0 : i32
    %dma_wait3A_748 = arith.constant 0 : i32
    %dma_wait3A_749 = arith.constant 0 : i32
    %dma_wait3A_750 = arith.constant 0 : i32
    %dma_wait3A_751 = tpu.memref_slice %arg6[%dma_wait3A_747, %dma_wait3A_749, %dma_wait3A_750] : memref<2x16x2000xf32, #tpu.memory_space<vmem>> -> memref<1x16x2000xf32, #tpu.memory_space<vmem>>
    %dma_wait3A_752 = tpu.memref_squeeze %dma_wait3A_751 : memref<1x16x2000xf32, #tpu.memory_space<vmem>> -> memref<16x2000xf32, #tpu.memory_space<vmem>>
    %dma_wait3A_753 = arith.constant 0 : i32
    %dma_wait3A_754 = arith.constant 0 : i32
    %dma_wait3A_755 = tpu.memref_slice %arg4[%dma_wait3A_753, %dma_wait3A_754] : memref<10240x2000xf32, #tpu.memory_space<hbm>> -> memref<10240x2000xf32, #tpu.memory_space<hbm>>
    %dma_wait3A_756 = tpu.memref_slice %arg8[%dma_wait3A_748] : memref<2x!tpu.dma_semaphore, #tpu.memory_space<semaphore_mem>> -> memref<1x!tpu.dma_semaphore, #tpu.memory_space<semaphore_mem>>
    %dma_wait3A_757 = tpu.memref_squeeze %dma_wait3A_756 : memref<1x!tpu.dma_semaphore, #tpu.memory_space<semaphore_mem>> -> memref<!tpu.dma_semaphore, #tpu.memory_space<semaphore_mem>>
    tpu.wait_indirect_dma semaphore(%dma_wait3A_757 : memref<!tpu.dma_semaphore, #tpu.memory_space<semaphore_mem>>) src(%dma_wait3A_752 : memref<16x2000xf32, #tpu.memory_space<vmem>>) dst(%dma_wait3A_755 : memref<10240x2000xf32, #tpu.memory_space<hbm>>)
    %get3A_758 = arith.constant 32 : index
    %get3A_759 = tpu.vector_load %arg5[%get3A_758] {strides = array<i32>} : memref<64xi32, #tpu.memory_space<vmem>>, vector<16xi32>,
    %get3A_760 = vector.shape_cast %get3A_759 : vector<16xi32> to vector<16xi32>
    %mul3A_761 = arith.constant 5 : i32
    %mul3A_762 = vector.broadcast %mul3A_761 : i32 to vector<16xi32>
    %mul3A_763 = arith.muli %get3A_760, %mul3A_762 : vector<16xi32>
    %add3A_764 = arith.constant 0 : i32
    %add3A_765 = vector.broadcast %add3A_764 : i32 to vector<16xi32>
    %add3A_766 = arith.addi %mul3A_763, %add3A_765 : vector<16xi32>
    %dma_start3A_767 = arith.constant 0 : i32
    %dma_start3A_768 = arith.constant 0 : i32
    %dma_start3A_769 = arith.constant 0 : i32
    %dma_start3A_770 = arith.constant 0 : i32
    %dma_start3A_771 = tpu.memref_slice %arg6[%dma_start3A_767, %dma_start3A_769, %dma_start3A_770] : memref<2x16x2000xf32, #tpu.memory_space<vmem>> -> memref<1x16x2000xf32, #tpu.memory_space<vmem>>
    %dma_start3A_772 = tpu.memref_squeeze %dma_start3A_771 : memref<1x16x2000xf32, #tpu.memory_space<vmem>> -> memref<16x2000xf32, #tpu.memory_space<vmem>>
    %dma_start3A_773 = arith.constant 0 : i32
    %dma_start3A_774 = arith.constant 0 : i32
    %dma_start3A_775 = tpu.memref_slice %arg2[%dma_start3A_773, %dma_start3A_774] : memref<50000x2000xf32, #tpu.memory_space<hbm>> -> memref<50000x2000xf32, #tpu.memory_space<hbm>>
    %dma_start3A_776 = tpu.memref_slice %arg7[%dma_start3A_768] : memref<2x!tpu.dma_semaphore, #tpu.memory_space<semaphore_mem>> -> memref<1x!tpu.dma_semaphore, #tpu.memory_space<semaphore_mem>>
    %dma_start3A_777 = tpu.memref_squeeze %dma_start3A_776 : memref<1x!tpu.dma_semaphore, #tpu.memory_space<semaphore_mem>> -> memref<!tpu.dma_semaphore, #tpu.memory_space<semaphore_mem>>
    tpu.enqueue_indirect_dma source(%dma_start3A_775 : memref<50000x2000xf32, #tpu.memory_space<hbm>>) target(%dma_start3A_772 : memref<16x2000xf32, #tpu.memory_space<vmem>>) offsets(%add3A_766 : vector<16xi32>) semaphore(%dma_start3A_777 : memref<!tpu.dma_semaphore, #tpu.memory_space<semaphore_mem>>)
    %get3A_778 = arith.constant 16 : index
    %get3A_779 = tpu.vector_load %arg5[%get3A_778] {strides = array<i32>} : memref<64xi32, #tpu.memory_space<vmem>>, vector<16xi32>,
    %get3A_780 = vector.shape_cast %get3A_779 : vector<16xi32> to vector<16xi32>
    %mul3A_781 = arith.constant 5 : i32
    %mul3A_782 = vector.broadcast %mul3A_781 : i32 to vector<16xi32>
    %mul3A_783 = arith.muli %get3A_780, %mul3A_782 : vector<16xi32>
    %add3A_784 = arith.constant 4 : i32
    %add3A_785 = vector.broadcast %add3A_784 : i32 to vector<16xi32>
    %add3A_786 = arith.addi %mul3A_783, %add3A_785 : vector<16xi32>
    %dma_wait3A_787 = arith.constant 1 : i32
    %dma_wait3A_788 = arith.constant 1 : i32
    %dma_wait3A_789 = arith.constant 0 : i32
    %dma_wait3A_790 = arith.constant 0 : i32
    %dma_wait3A_791 = tpu.memref_slice %arg6[%dma_wait3A_787, %dma_wait3A_789, %dma_wait3A_790] : memref<2x16x2000xf32, #tpu.memory_space<vmem>> -> memref<1x16x2000xf32, #tpu.memory_space<vmem>>
    %dma_wait3A_792 = tpu.memref_squeeze %dma_wait3A_791 : memref<1x16x2000xf32, #tpu.memory_space<vmem>> -> memref<16x2000xf32, #tpu.memory_space<vmem>>
    %dma_wait3A_793 = arith.constant 0 : i32
    %dma_wait3A_794 = arith.constant 0 : i32
    %dma_wait3A_795 = tpu.memref_slice %arg2[%dma_wait3A_793, %dma_wait3A_794] : memref<50000x2000xf32, #tpu.memory_space<hbm>> -> memref<50000x2000xf32, #tpu.memory_space<hbm>>
    %dma_wait3A_796 = tpu.memref_slice %arg7[%dma_wait3A_788] : memref<2x!tpu.dma_semaphore, #tpu.memory_space<semaphore_mem>> -> memref<1x!tpu.dma_semaphore, #tpu.memory_space<semaphore_mem>>
    %dma_wait3A_797 = tpu.memref_squeeze %dma_wait3A_796 : memref<1x!tpu.dma_semaphore, #tpu.memory_space<semaphore_mem>> -> memref<!tpu.dma_semaphore, #tpu.memory_space<semaphore_mem>>
    tpu.wait_indirect_dma semaphore(%dma_wait3A_797 : memref<!tpu.dma_semaphore, #tpu.memory_space<semaphore_mem>>) src(%dma_wait3A_795 : memref<50000x2000xf32, #tpu.memory_space<hbm>>) dst(%dma_wait3A_792 : memref<16x2000xf32, #tpu.memory_space<vmem>>)
    %add3A_798 = arith.constant 16 : i32
    %add3A_799 = arith.addi %mul3A_2, %add3A_798 : i32
    %add3A_800 = vector.broadcast %add3A_799 : i32 to vector<16xi32>
    %add3A_801 = arith.addi %add3A_800, %iota3A : vector<16xi32>
    %mul3A_802 = arith.constant 5 : i32
    %mul3A_803 = vector.broadcast %mul3A_802 : i32 to vector<16xi32>
    %mul3A_804 = arith.muli %add3A_801, %mul3A_803 : vector<16xi32>
    %add3A_805 = arith.constant 4 : i32
    %add3A_806 = vector.broadcast %add3A_805 : i32 to vector<16xi32>
    %add3A_807 = arith.addi %mul3A_804, %add3A_806 : vector<16xi32>
    %dma_start3A_808 = arith.constant 1 : i32
    %dma_start3A_809 = arith.constant 1 : i32
    %dma_start3A_810 = arith.constant 0 : i32
    %dma_start3A_811 = arith.constant 0 : i32
    %dma_start3A_812 = tpu.memref_slice %arg6[%dma_start3A_808, %dma_start3A_810, %dma_start3A_811] : memref<2x16x2000xf32, #tpu.memory_space<vmem>> -> memref<1x16x2000xf32, #tpu.memory_space<vmem>>
    %dma_start3A_813 = tpu.memref_squeeze %dma_start3A_812 : memref<1x16x2000xf32, #tpu.memory_space<vmem>> -> memref<16x2000xf32, #tpu.memory_space<vmem>>
    %dma_start3A_814 = arith.constant 0 : i32
    %dma_start3A_815 = arith.constant 0 : i32
    %dma_start3A_816 = tpu.memref_slice %arg4[%dma_start3A_814, %dma_start3A_815] : memref<10240x2000xf32, #tpu.memory_space<hbm>> -> memref<10240x2000xf32, #tpu.memory_space<hbm>>
    %dma_start3A_817 = tpu.memref_slice %arg8[%dma_start3A_809] : memref<2x!tpu.dma_semaphore, #tpu.memory_space<semaphore_mem>> -> memref<1x!tpu.dma_semaphore, #tpu.memory_space<semaphore_mem>>
    %dma_start3A_818 = tpu.memref_squeeze %dma_start3A_817 : memref<1x!tpu.dma_semaphore, #tpu.memory_space<semaphore_mem>> -> memref<!tpu.dma_semaphore, #tpu.memory_space<semaphore_mem>>
    tpu.enqueue_indirect_dma source(%dma_start3A_813 : memref<16x2000xf32, #tpu.memory_space<vmem>>) target(%dma_start3A_816 : memref<10240x2000xf32, #tpu.memory_space<hbm>>) offsets(%add3A_807 : vector<16xi32>) semaphore(%dma_start3A_818 : memref<!tpu.dma_semaphore, #tpu.memory_space<semaphore_mem>>)
    %add3A_819 = arith.constant 16 : i32
    %add3A_820 = arith.addi %mul3A_2, %add3A_819 : i32
    %add3A_821 = vector.broadcast %add3A_820 : i32 to vector<16xi32>
    %add3A_822 = arith.addi %add3A_821, %iota3A : vector<16xi32>
    %mul3A_823 = arith.constant 5 : i32
    %mul3A_824 = vector.broadcast %mul3A_823 : i32 to vector<16xi32>
    %mul3A_825 = arith.muli %add3A_822, %mul3A_824 : vector<16xi32>
    %add3A_826 = arith.constant 4 : i32
    %add3A_827 = vector.broadcast %add3A_826 : i32 to vector<16xi32>
    %add3A_828 = arith.addi %mul3A_825, %add3A_827 : vector<16xi32>
    %dma_wait3A_829 = arith.constant 1 : i32
    %dma_wait3A_830 = arith.constant 1 : i32
    %dma_wait3A_831 = arith.constant 0 : i32
    %dma_wait3A_832 = arith.constant 0 : i32
    %dma_wait3A_833 = tpu.memref_slice %arg6[%dma_wait3A_829, %dma_wait3A_831, %dma_wait3A_832] : memref<2x16x2000xf32, #tpu.memory_space<vmem>> -> memref<1x16x2000xf32, #tpu.memory_space<vmem>>
    %dma_wait3A_834 = tpu.memref_squeeze %dma_wait3A_833 : memref<1x16x2000xf32, #tpu.memory_space<vmem>> -> memref<16x2000xf32, #tpu.memory_space<vmem>>
    %dma_wait3A_835 = arith.constant 0 : i32
    %dma_wait3A_836 = arith.constant 0 : i32
    %dma_wait3A_837 = tpu.memref_slice %arg4[%dma_wait3A_835, %dma_wait3A_836] : memref<10240x2000xf32, #tpu.memory_space<hbm>> -> memref<10240x2000xf32, #tpu.memory_space<hbm>>
    %dma_wait3A_838 = tpu.memref_slice %arg8[%dma_wait3A_830] : memref<2x!tpu.dma_semaphore, #tpu.memory_space<semaphore_mem>> -> memref<1x!tpu.dma_semaphore, #tpu.memory_space<semaphore_mem>>
    %dma_wait3A_839 = tpu.memref_squeeze %dma_wait3A_838 : memref<1x!tpu.dma_semaphore, #tpu.memory_space<semaphore_mem>> -> memref<!tpu.dma_semaphore, #tpu.memory_space<semaphore_mem>>
    tpu.wait_indirect_dma semaphore(%dma_wait3A_839 : memref<!tpu.dma_semaphore, #tpu.memory_space<semaphore_mem>>) src(%dma_wait3A_834 : memref<16x2000xf32, #tpu.memory_space<vmem>>) dst(%dma_wait3A_837 : memref<10240x2000xf32, #tpu.memory_space<hbm>>)
    %get3A_840 = arith.constant 32 : index
    %get3A_841 = tpu.vector_load %arg5[%get3A_840] {strides = array<i32>} : memref<64xi32, #tpu.memory_space<vmem>>, vector<16xi32>,
    %get3A_842 = vector.shape_cast %get3A_841 : vector<16xi32> to vector<16xi32>
    %mul3A_843 = arith.constant 5 : i32
    %mul3A_844 = vector.broadcast %mul3A_843 : i32 to vector<16xi32>
    %mul3A_845 = arith.muli %get3A_842, %mul3A_844 : vector<16xi32>
    %add3A_846 = arith.constant 1 : i32
    %add3A_847 = vector.broadcast %add3A_846 : i32 to vector<16xi32>
    %add3A_848 = arith.addi %mul3A_845, %add3A_847 : vector<16xi32>
    %dma_start3A_849 = arith.constant 1 : i32
    %dma_start3A_850 = arith.constant 1 : i32
    %dma_start3A_851 = arith.constant 0 : i32
    %dma_start3A_852 = arith.constant 0 : i32
    %dma_start3A_853 = tpu.memref_slice %arg6[%dma_start3A_849, %dma_start3A_851, %dma_start3A_852] : memref<2x16x2000xf32, #tpu.memory_space<vmem>> -> memref<1x16x2000xf32, #tpu.memory_space<vmem>>
    %dma_start3A_854 = tpu.memref_squeeze %dma_start3A_853 : memref<1x16x2000xf32, #tpu.memory_space<vmem>> -> memref<16x2000xf32, #tpu.memory_space<vmem>>
    %dma_start3A_855 = arith.constant 0 : i32
    %dma_start3A_856 = arith.constant 0 : i32
    %dma_start3A_857 = tpu.memref_slice %arg2[%dma_start3A_855, %dma_start3A_856] : memref<50000x2000xf32, #tpu.memory_space<hbm>> -> memref<50000x2000xf32, #tpu.memory_space<hbm>>
    %dma_start3A_858 = tpu.memref_slice %arg7[%dma_start3A_850] : memref<2x!tpu.dma_semaphore, #tpu.memory_space<semaphore_mem>> -> memref<1x!tpu.dma_semaphore, #tpu.memory_space<semaphore_mem>>
    %dma_start3A_859 = tpu.memref_squeeze %dma_start3A_858 : memref<1x!tpu.dma_semaphore, #tpu.memory_space<semaphore_mem>> -> memref<!tpu.dma_semaphore, #tpu.memory_space<semaphore_mem>>
    tpu.enqueue_indirect_dma source(%dma_start3A_857 : memref<50000x2000xf32, #tpu.memory_space<hbm>>) target(%dma_start3A_854 : memref<16x2000xf32, #tpu.memory_space<vmem>>) offsets(%add3A_848 : vector<16xi32>) semaphore(%dma_start3A_859 : memref<!tpu.dma_semaphore, #tpu.memory_space<semaphore_mem>>)
    %get3A_860 = arith.constant 32 : index
    %get3A_861 = tpu.vector_load %arg5[%get3A_860] {strides = array<i32>} : memref<64xi32, #tpu.memory_space<vmem>>, vector<16xi32>,
    %get3A_862 = vector.shape_cast %get3A_861 : vector<16xi32> to vector<16xi32>
    %mul3A_863 = arith.constant 5 : i32
    %mul3A_864 = vector.broadcast %mul3A_863 : i32 to vector<16xi32>
    %mul3A_865 = arith.muli %get3A_862, %mul3A_864 : vector<16xi32>
    %add3A_866 = arith.constant 0 : i32
    %add3A_867 = vector.broadcast %add3A_866 : i32 to vector<16xi32>
    %add3A_868 = arith.addi %mul3A_865, %add3A_867 : vector<16xi32>
    %dma_wait3A_869 = arith.constant 0 : i32
    %dma_wait3A_870 = arith.constant 0 : i32
    %dma_wait3A_871 = arith.constant 0 : i32
    %dma_wait3A_872 = arith.constant 0 : i32
    %dma_wait3A_873 = tpu.memref_slice %arg6[%dma_wait3A_869, %dma_wait3A_871, %dma_wait3A_872] : memref<2x16x2000xf32, #tpu.memory_space<vmem>> -> memref<1x16x2000xf32, #tpu.memory_space<vmem>>
    %dma_wait3A_874 = tpu.memref_squeeze %dma_wait3A_873 : memref<1x16x2000xf32, #tpu.memory_space<vmem>> -> memref<16x2000xf32, #tpu.memory_space<vmem>>
    %dma_wait3A_875 = arith.constant 0 : i32
    %dma_wait3A_876 = arith.constant 0 : i32
    %dma_wait3A_877 = tpu.memref_slice %arg2[%dma_wait3A_875, %dma_wait3A_876] : memref<50000x2000xf32, #tpu.memory_space<hbm>> -> memref<50000x2000xf32, #tpu.memory_space<hbm>>
    %dma_wait3A_878 = tpu.memref_slice %arg7[%dma_wait3A_870] : memref<2x!tpu.dma_semaphore, #tpu.memory_space<semaphore_mem>> -> memref<1x!tpu.dma_semaphore, #tpu.memory_space<semaphore_mem>>
    %dma_wait3A_879 = tpu.memref_squeeze %dma_wait3A_878 : memref<1x!tpu.dma_semaphore, #tpu.memory_space<semaphore_mem>> -> memref<!tpu.dma_semaphore, #tpu.memory_space<semaphore_mem>>
    tpu.wait_indirect_dma semaphore(%dma_wait3A_879 : memref<!tpu.dma_semaphore, #tpu.memory_space<semaphore_mem>>) src(%dma_wait3A_877 : memref<50000x2000xf32, #tpu.memory_space<hbm>>) dst(%dma_wait3A_874 : memref<16x2000xf32, #tpu.memory_space<vmem>>)
    %add3A_880 = arith.constant 32 : i32
    %add3A_881 = arith.addi %mul3A_2, %add3A_880 : i32
    %add3A_882 = vector.broadcast %add3A_881 : i32 to vector<16xi32>
    %add3A_883 = arith.addi %add3A_882, %iota3A : vector<16xi32>
    %mul3A_884 = arith.constant 5 : i32
    %mul3A_885 = vector.broadcast %mul3A_884 : i32 to vector<16xi32>
    %mul3A_886 = arith.muli %add3A_883, %mul3A_885 : vector<16xi32>
    %add3A_887 = arith.constant 0 : i32
    %add3A_888 = vector.broadcast %add3A_887 : i32 to vector<16xi32>
    %add3A_889 = arith.addi %mul3A_886, %add3A_888 : vector<16xi32>
    %dma_start3A_890 = arith.constant 0 : i32
    %dma_start3A_891 = arith.constant 0 : i32
    %dma_start3A_892 = arith.constant 0 : i32
    %dma_start3A_893 = arith.constant 0 : i32
    %dma_start3A_894 = tpu.memref_slice %arg6[%dma_start3A_890, %dma_start3A_892, %dma_start3A_893] : memref<2x16x2000xf32, #tpu.memory_space<vmem>> -> memref<1x16x2000xf32, #tpu.memory_space<vmem>>
    %dma_start3A_895 = tpu.memref_squeeze %dma_start3A_894 : memref<1x16x2000xf32, #tpu.memory_space<vmem>> -> memref<16x2000xf32, #tpu.memory_space<vmem>>
    %dma_start3A_896 = arith.constant 0 : i32
    %dma_start3A_897 = arith.constant 0 : i32
    %dma_start3A_898 = tpu.memref_slice %arg4[%dma_start3A_896, %dma_start3A_897] : memref<10240x2000xf32, #tpu.memory_space<hbm>> -> memref<10240x2000xf32, #tpu.memory_space<hbm>>
    %dma_start3A_899 = tpu.memref_slice %arg8[%dma_start3A_891] : memref<2x!tpu.dma_semaphore, #tpu.memory_space<semaphore_mem>> -> memref<1x!tpu.dma_semaphore, #tpu.memory_space<semaphore_mem>>
    %dma_start3A_900 = tpu.memref_squeeze %dma_start3A_899 : memref<1x!tpu.dma_semaphore, #tpu.memory_space<semaphore_mem>> -> memref<!tpu.dma_semaphore, #tpu.memory_space<semaphore_mem>>
    tpu.enqueue_indirect_dma source(%dma_start3A_895 : memref<16x2000xf32, #tpu.memory_space<vmem>>) target(%dma_start3A_898 : memref<10240x2000xf32, #tpu.memory_space<hbm>>) offsets(%add3A_889 : vector<16xi32>) semaphore(%dma_start3A_900 : memref<!tpu.dma_semaphore, #tpu.memory_space<semaphore_mem>>)
    %add3A_901 = arith.constant 32 : i32
    %add3A_902 = arith.addi %mul3A_2, %add3A_901 : i32
    %add3A_903 = vector.broadcast %add3A_902 : i32 to vector<16xi32>
    %add3A_904 = arith.addi %add3A_903, %iota3A : vector<16xi32>
    %mul3A_905 = arith.constant 5 : i32
    %mul3A_906 = vector.broadcast %mul3A_905 : i32 to vector<16xi32>
    %mul3A_907 = arith.muli %add3A_904, %mul3A_906 : vector<16xi32>
    %add3A_908 = arith.constant 0 : i32
    %add3A_909 = vector.broadcast %add3A_908 : i32 to vector<16xi32>
    %add3A_910 = arith.addi %mul3A_907, %add3A_909 : vector<16xi32>
    %dma_wait3A_911 = arith.constant 0 : i32
    %dma_wait3A_912 = arith.constant 0 : i32
    %dma_wait3A_913 = arith.constant 0 : i32
    %dma_wait3A_914 = arith.constant 0 : i32
    %dma_wait3A_915 = tpu.memref_slice %arg6[%dma_wait3A_911, %dma_wait3A_913, %dma_wait3A_914] : memref<2x16x2000xf32, #tpu.memory_space<vmem>> -> memref<1x16x2000xf32, #tpu.memory_space<vmem>>
    %dma_wait3A_916 = tpu.memref_squeeze %dma_wait3A_915 : memref<1x16x2000xf32, #tpu.memory_space<vmem>> -> memref<16x2000xf32, #tpu.memory_space<vmem>>
    %dma_wait3A_917 = arith.constant 0 : i32
    %dma_wait3A_918 = arith.constant 0 : i32
    %dma_wait3A_919 = tpu.memref_slice %arg4[%dma_wait3A_917, %dma_wait3A_918] : memref<10240x2000xf32, #tpu.memory_space<hbm>> -> memref<10240x2000xf32, #tpu.memory_space<hbm>>
    %dma_wait3A_920 = tpu.memref_slice %arg8[%dma_wait3A_912] : memref<2x!tpu.dma_semaphore, #tpu.memory_space<semaphore_mem>> -> memref<1x!tpu.dma_semaphore, #tpu.memory_space<semaphore_mem>>
    %dma_wait3A_921 = tpu.memref_squeeze %dma_wait3A_920 : memref<1x!tpu.dma_semaphore, #tpu.memory_space<semaphore_mem>> -> memref<!tpu.dma_semaphore, #tpu.memory_space<semaphore_mem>>
    tpu.wait_indirect_dma semaphore(%dma_wait3A_921 : memref<!tpu.dma_semaphore, #tpu.memory_space<semaphore_mem>>) src(%dma_wait3A_916 : memref<16x2000xf32, #tpu.memory_space<vmem>>) dst(%dma_wait3A_919 : memref<10240x2000xf32, #tpu.memory_space<hbm>>)
    %get3A_922 = arith.constant 32 : index
    %get3A_923 = tpu.vector_load %arg5[%get3A_922] {strides = array<i32>} : memref<64xi32, #tpu.memory_space<vmem>>, vector<16xi32>,
    %get3A_924 = vector.shape_cast %get3A_923 : vector<16xi32> to vector<16xi32>
    %mul3A_925 = arith.constant 5 : i32
    %mul3A_926 = vector.broadcast %mul3A_925 : i32 to vector<16xi32>
    %mul3A_927 = arith.muli %get3A_924, %mul3A_926 : vector<16xi32>
    %add3A_928 = arith.constant 2 : i32
    %add3A_929 = vector.broadcast %add3A_928 : i32 to vector<16xi32>
    %add3A_930 = arith.addi %mul3A_927, %add3A_929 : vector<16xi32>
    %dma_start3A_931 = arith.constant 0 : i32
    %dma_start3A_932 = arith.constant 0 : i32
    %dma_start3A_933 = arith.constant 0 : i32
    %dma_start3A_934 = arith.constant 0 : i32
    %dma_start3A_935 = tpu.memref_slice %arg6[%dma_start3A_931, %dma_start3A_933, %dma_start3A_934] : memref<2x16x2000xf32, #tpu.memory_space<vmem>> -> memref<1x16x2000xf32, #tpu.memory_space<vmem>>
    %dma_start3A_936 = tpu.memref_squeeze %dma_start3A_935 : memref<1x16x2000xf32, #tpu.memory_space<vmem>> -> memref<16x2000xf32, #tpu.memory_space<vmem>>
    %dma_start3A_937 = arith.constant 0 : i32
    %dma_start3A_938 = arith.constant 0 : i32
    %dma_start3A_939 = tpu.memref_slice %arg2[%dma_start3A_937, %dma_start3A_938] : memref<50000x2000xf32, #tpu.memory_space<hbm>> -> memref<50000x2000xf32, #tpu.memory_space<hbm>>
    %dma_start3A_940 = tpu.memref_slice %arg7[%dma_start3A_932] : memref<2x!tpu.dma_semaphore, #tpu.memory_space<semaphore_mem>> -> memref<1x!tpu.dma_semaphore, #tpu.memory_space<semaphore_mem>>
    %dma_start3A_941 = tpu.memref_squeeze %dma_start3A_940 : memref<1x!tpu.dma_semaphore, #tpu.memory_space<semaphore_mem>> -> memref<!tpu.dma_semaphore, #tpu.memory_space<semaphore_mem>>
    tpu.enqueue_indirect_dma source(%dma_start3A_939 : memref<50000x2000xf32, #tpu.memory_space<hbm>>) target(%dma_start3A_936 : memref<16x2000xf32, #tpu.memory_space<vmem>>) offsets(%add3A_930 : vector<16xi32>) semaphore(%dma_start3A_941 : memref<!tpu.dma_semaphore, #tpu.memory_space<semaphore_mem>>)
    %get3A_942 = arith.constant 32 : index
    %get3A_943 = tpu.vector_load %arg5[%get3A_942] {strides = array<i32>} : memref<64xi32, #tpu.memory_space<vmem>>, vector<16xi32>,
    %get3A_944 = vector.shape_cast %get3A_943 : vector<16xi32> to vector<16xi32>
    %mul3A_945 = arith.constant 5 : i32
    %mul3A_946 = vector.broadcast %mul3A_945 : i32 to vector<16xi32>
    %mul3A_947 = arith.muli %get3A_944, %mul3A_946 : vector<16xi32>
    %add3A_948 = arith.constant 1 : i32
    %add3A_949 = vector.broadcast %add3A_948 : i32 to vector<16xi32>
    %add3A_950 = arith.addi %mul3A_947, %add3A_949 : vector<16xi32>
    %dma_wait3A_951 = arith.constant 1 : i32
    %dma_wait3A_952 = arith.constant 1 : i32
    %dma_wait3A_953 = arith.constant 0 : i32
    %dma_wait3A_954 = arith.constant 0 : i32
    %dma_wait3A_955 = tpu.memref_slice %arg6[%dma_wait3A_951, %dma_wait3A_953, %dma_wait3A_954] : memref<2x16x2000xf32, #tpu.memory_space<vmem>> -> memref<1x16x2000xf32, #tpu.memory_space<vmem>>
    %dma_wait3A_956 = tpu.memref_squeeze %dma_wait3A_955 : memref<1x16x2000xf32, #tpu.memory_space<vmem>> -> memref<16x2000xf32, #tpu.memory_space<vmem>>
    %dma_wait3A_957 = arith.constant 0 : i32
    %dma_wait3A_958 = arith.constant 0 : i32
    %dma_wait3A_959 = tpu.memref_slice %arg2[%dma_wait3A_957, %dma_wait3A_958] : memref<50000x2000xf32, #tpu.memory_space<hbm>> -> memref<50000x2000xf32, #tpu.memory_space<hbm>>
    %dma_wait3A_960 = tpu.memref_slice %arg7[%dma_wait3A_952] : memref<2x!tpu.dma_semaphore, #tpu.memory_space<semaphore_mem>> -> memref<1x!tpu.dma_semaphore, #tpu.memory_space<semaphore_mem>>
    %dma_wait3A_961 = tpu.memref_squeeze %dma_wait3A_960 : memref<1x!tpu.dma_semaphore, #tpu.memory_space<semaphore_mem>> -> memref<!tpu.dma_semaphore, #tpu.memory_space<semaphore_mem>>
    tpu.wait_indirect_dma semaphore(%dma_wait3A_961 : memref<!tpu.dma_semaphore, #tpu.memory_space<semaphore_mem>>) src(%dma_wait3A_959 : memref<50000x2000xf32, #tpu.memory_space<hbm>>) dst(%dma_wait3A_956 : memref<16x2000xf32, #tpu.memory_space<vmem>>)
    %add3A_962 = arith.constant 32 : i32
    %add3A_963 = arith.addi %mul3A_2, %add3A_962 : i32
    %add3A_964 = vector.broadcast %add3A_963 : i32 to vector<16xi32>
    %add3A_965 = arith.addi %add3A_964, %iota3A : vector<16xi32>
    %mul3A_966 = arith.constant 5 : i32
    %mul3A_967 = vector.broadcast %mul3A_966 : i32 to vector<16xi32>
    %mul3A_968 = arith.muli %add3A_965, %mul3A_967 : vector<16xi32>
    %add3A_969 = arith.constant 1 : i32
    %add3A_970 = vector.broadcast %add3A_969 : i32 to vector<16xi32>
    %add3A_971 = arith.addi %mul3A_968, %add3A_970 : vector<16xi32>
    %dma_start3A_972 = arith.constant 1 : i32
    %dma_start3A_973 = arith.constant 1 : i32
    %dma_start3A_974 = arith.constant 0 : i32
    %dma_start3A_975 = arith.constant 0 : i32
    %dma_start3A_976 = tpu.memref_slice %arg6[%dma_start3A_972, %dma_start3A_974, %dma_start3A_975] : memref<2x16x2000xf32, #tpu.memory_space<vmem>> -> memref<1x16x2000xf32, #tpu.memory_space<vmem>>
    %dma_start3A_977 = tpu.memref_squeeze %dma_start3A_976 : memref<1x16x2000xf32, #tpu.memory_space<vmem>> -> memref<16x2000xf32, #tpu.memory_space<vmem>>
    %dma_start3A_978 = arith.constant 0 : i32
    %dma_start3A_979 = arith.constant 0 : i32
    %dma_start3A_980 = tpu.memref_slice %arg4[%dma_start3A_978, %dma_start3A_979] : memref<10240x2000xf32, #tpu.memory_space<hbm>> -> memref<10240x2000xf32, #tpu.memory_space<hbm>>
    %dma_start3A_981 = tpu.memref_slice %arg8[%dma_start3A_973] : memref<2x!tpu.dma_semaphore, #tpu.memory_space<semaphore_mem>> -> memref<1x!tpu.dma_semaphore, #tpu.memory_space<semaphore_mem>>
    %dma_start3A_982 = tpu.memref_squeeze %dma_start3A_981 : memref<1x!tpu.dma_semaphore, #tpu.memory_space<semaphore_mem>> -> memref<!tpu.dma_semaphore, #tpu.memory_space<semaphore_mem>>
    tpu.enqueue_indirect_dma source(%dma_start3A_977 : memref<16x2000xf32, #tpu.memory_space<vmem>>) target(%dma_start3A_980 : memref<10240x2000xf32, #tpu.memory_space<hbm>>) offsets(%add3A_971 : vector<16xi32>) semaphore(%dma_start3A_982 : memref<!tpu.dma_semaphore, #tpu.memory_space<semaphore_mem>>)
    %add3A_983 = arith.constant 32 : i32
    %add3A_984 = arith.addi %mul3A_2, %add3A_983 : i32
    %add3A_985 = vector.broadcast %add3A_984 : i32 to vector<16xi32>
    %add3A_986 = arith.addi %add3A_985, %iota3A : vector<16xi32>
    %mul3A_987 = arith.constant 5 : i32
    %mul3A_988 = vector.broadcast %mul3A_987 : i32 to vector<16xi32>
    %mul3A_989 = arith.muli %add3A_986, %mul3A_988 : vector<16xi32>
    %add3A_990 = arith.constant 1 : i32
    %add3A_991 = vector.broadcast %add3A_990 : i32 to vector<16xi32>
    %add3A_992 = arith.addi %mul3A_989, %add3A_991 : vector<16xi32>
    %dma_wait3A_993 = arith.constant 1 : i32
    %dma_wait3A_994 = arith.constant 1 : i32
    %dma_wait3A_995 = arith.constant 0 : i32
    %dma_wait3A_996 = arith.constant 0 : i32
    %dma_wait3A_997 = tpu.memref_slice %arg6[%dma_wait3A_993, %dma_wait3A_995, %dma_wait3A_996] : memref<2x16x2000xf32, #tpu.memory_space<vmem>> -> memref<1x16x2000xf32, #tpu.memory_space<vmem>>
    %dma_wait3A_998 = tpu.memref_squeeze %dma_wait3A_997 : memref<1x16x2000xf32, #tpu.memory_space<vmem>> -> memref<16x2000xf32, #tpu.memory_space<vmem>>
    %dma_wait3A_999 = arith.constant 0 : i32
    %dma_wait3A_1000 = arith.constant 0 : i32
    %dma_wait3A_1001 = tpu.memref_slice %arg4[%dma_wait3A_999, %dma_wait3A_1000] : memref<10240x2000xf32, #tpu.memory_space<hbm>> -> memref<10240x2000xf32, #tpu.memory_space<hbm>>
    %dma_wait3A_1002 = tpu.memref_slice %arg8[%dma_wait3A_994] : memref<2x!tpu.dma_semaphore, #tpu.memory_space<semaphore_mem>> -> memref<1x!tpu.dma_semaphore, #tpu.memory_space<semaphore_mem>>
    %dma_wait3A_1003 = tpu.memref_squeeze %dma_wait3A_1002 : memref<1x!tpu.dma_semaphore, #tpu.memory_space<semaphore_mem>> -> memref<!tpu.dma_semaphore, #tpu.memory_space<semaphore_mem>>
    tpu.wait_indirect_dma semaphore(%dma_wait3A_1003 : memref<!tpu.dma_semaphore, #tpu.memory_space<semaphore_mem>>) src(%dma_wait3A_998 : memref<16x2000xf32, #tpu.memory_space<vmem>>) dst(%dma_wait3A_1001 : memref<10240x2000xf32, #tpu.memory_space<hbm>>)
    %get3A_1004 = arith.constant 32 : index
    %get3A_1005 = tpu.vector_load %arg5[%get3A_1004] {strides = array<i32>} : memref<64xi32, #tpu.memory_space<vmem>>, vector<16xi32>,
    %get3A_1006 = vector.shape_cast %get3A_1005 : vector<16xi32> to vector<16xi32>
    %mul3A_1007 = arith.constant 5 : i32
    %mul3A_1008 = vector.broadcast %mul3A_1007 : i32 to vector<16xi32>
    %mul3A_1009 = arith.muli %get3A_1006, %mul3A_1008 : vector<16xi32>
    %add3A_1010 = arith.constant 3 : i32
    %add3A_1011 = vector.broadcast %add3A_1010 : i32 to vector<16xi32>
    %add3A_1012 = arith.addi %mul3A_1009, %add3A_1011 : vector<16xi32>
    %dma_start3A_1013 = arith.constant 1 : i32
    %dma_start3A_1014 = arith.constant 1 : i32
    %dma_start3A_1015 = arith.constant 0 : i32
    %dma_start3A_1016 = arith.constant 0 : i32
    %dma_start3A_1017 = tpu.memref_slice %arg6[%dma_start3A_1013, %dma_start3A_1015, %dma_start3A_1016] : memref<2x16x2000xf32, #tpu.memory_space<vmem>> -> memref<1x16x2000xf32, #tpu.memory_space<vmem>>
    %dma_start3A_1018 = tpu.memref_squeeze %dma_start3A_1017 : memref<1x16x2000xf32, #tpu.memory_space<vmem>> -> memref<16x2000xf32, #tpu.memory_space<vmem>>
    %dma_start3A_1019 = arith.constant 0 : i32
    %dma_start3A_1020 = arith.constant 0 : i32
    %dma_start3A_1021 = tpu.memref_slice %arg2[%dma_start3A_1019, %dma_start3A_1020] : memref<50000x2000xf32, #tpu.memory_space<hbm>> -> memref<50000x2000xf32, #tpu.memory_space<hbm>>
    %dma_start3A_1022 = tpu.memref_slice %arg7[%dma_start3A_1014] : memref<2x!tpu.dma_semaphore, #tpu.memory_space<semaphore_mem>> -> memref<1x!tpu.dma_semaphore, #tpu.memory_space<semaphore_mem>>
    %dma_start3A_1023 = tpu.memref_squeeze %dma_start3A_1022 : memref<1x!tpu.dma_semaphore, #tpu.memory_space<semaphore_mem>> -> memref<!tpu.dma_semaphore, #tpu.memory_space<semaphore_mem>>
    tpu.enqueue_indirect_dma source(%dma_start3A_1021 : memref<50000x2000xf32, #tpu.memory_space<hbm>>) target(%dma_start3A_1018 : memref<16x2000xf32, #tpu.memory_space<vmem>>) offsets(%add3A_1012 : vector<16xi32>) semaphore(%dma_start3A_1023 : memref<!tpu.dma_semaphore, #tpu.memory_space<semaphore_mem>>)
    %get3A_1024 = arith.constant 32 : index
    %get3A_1025 = tpu.vector_load %arg5[%get3A_1024] {strides = array<i32>} : memref<64xi32, #tpu.memory_space<vmem>>, vector<16xi32>,
    %get3A_1026 = vector.shape_cast %get3A_1025 : vector<16xi32> to vector<16xi32>
    %mul3A_1027 = arith.constant 5 : i32
    %mul3A_1028 = vector.broadcast %mul3A_1027 : i32 to vector<16xi32>
    %mul3A_1029 = arith.muli %get3A_1026, %mul3A_1028 : vector<16xi32>
    %add3A_1030 = arith.constant 2 : i32
    %add3A_1031 = vector.broadcast %add3A_1030 : i32 to vector<16xi32>
    %add3A_1032 = arith.addi %mul3A_1029, %add3A_1031 : vector<16xi32>
    %dma_wait3A_1033 = arith.constant 0 : i32
    %dma_wait3A_1034 = arith.constant 0 : i32
    %dma_wait3A_1035 = arith.constant 0 : i32
    %dma_wait3A_1036 = arith.constant 0 : i32
    %dma_wait3A_1037 = tpu.memref_slice %arg6[%dma_wait3A_1033, %dma_wait3A_1035, %dma_wait3A_1036] : memref<2x16x2000xf32, #tpu.memory_space<vmem>> -> memref<1x16x2000xf32, #tpu.memory_space<vmem>>
    %dma_wait3A_1038 = tpu.memref_squeeze %dma_wait3A_1037 : memref<1x16x2000xf32, #tpu.memory_space<vmem>> -> memref<16x2000xf32, #tpu.memory_space<vmem>>
    %dma_wait3A_1039 = arith.constant 0 : i32
    %dma_wait3A_1040 = arith.constant 0 : i32
    %dma_wait3A_1041 = tpu.memref_slice %arg2[%dma_wait3A_1039, %dma_wait3A_1040] : memref<50000x2000xf32, #tpu.memory_space<hbm>> -> memref<50000x2000xf32, #tpu.memory_space<hbm>>
    %dma_wait3A_1042 = tpu.memref_slice %arg7[%dma_wait3A_1034] : memref<2x!tpu.dma_semaphore, #tpu.memory_space<semaphore_mem>> -> memref<1x!tpu.dma_semaphore, #tpu.memory_space<semaphore_mem>>
    %dma_wait3A_1043 = tpu.memref_squeeze %dma_wait3A_1042 : memref<1x!tpu.dma_semaphore, #tpu.memory_space<semaphore_mem>> -> memref<!tpu.dma_semaphore, #tpu.memory_space<semaphore_mem>>
    tpu.wait_indirect_dma semaphore(%dma_wait3A_1043 : memref<!tpu.dma_semaphore, #tpu.memory_space<semaphore_mem>>) src(%dma_wait3A_1041 : memref<50000x2000xf32, #tpu.memory_space<hbm>>) dst(%dma_wait3A_1038 : memref<16x2000xf32, #tpu.memory_space<vmem>>)
    %add3A_1044 = arith.constant 32 : i32
    %add3A_1045 = arith.addi %mul3A_2, %add3A_1044 : i32
    %add3A_1046 = vector.broadcast %add3A_1045 : i32 to vector<16xi32>
    %add3A_1047 = arith.addi %add3A_1046, %iota3A : vector<16xi32>
    %mul3A_1048 = arith.constant 5 : i32
    %mul3A_1049 = vector.broadcast %mul3A_1048 : i32 to vector<16xi32>
    %mul3A_1050 = arith.muli %add3A_1047, %mul3A_1049 : vector<16xi32>
    %add3A_1051 = arith.constant 2 : i32
    %add3A_1052 = vector.broadcast %add3A_1051 : i32 to vector<16xi32>
    %add3A_1053 = arith.addi %mul3A_1050, %add3A_1052 : vector<16xi32>
    %dma_start3A_1054 = arith.constant 0 : i32
    %dma_start3A_1055 = arith.constant 0 : i32
    %dma_start3A_1056 = arith.constant 0 : i32
    %dma_start3A_1057 = arith.constant 0 : i32
    %dma_start3A_1058 = tpu.memref_slice %arg6[%dma_start3A_1054, %dma_start3A_1056, %dma_start3A_1057] : memref<2x16x2000xf32, #tpu.memory_space<vmem>> -> memref<1x16x2000xf32, #tpu.memory_space<vmem>>
    %dma_start3A_1059 = tpu.memref_squeeze %dma_start3A_1058 : memref<1x16x2000xf32, #tpu.memory_space<vmem>> -> memref<16x2000xf32, #tpu.memory_space<vmem>>
    %dma_start3A_1060 = arith.constant 0 : i32
    %dma_start3A_1061 = arith.constant 0 : i32
    %dma_start3A_1062 = tpu.memref_slice %arg4[%dma_start3A_1060, %dma_start3A_1061] : memref<10240x2000xf32, #tpu.memory_space<hbm>> -> memref<10240x2000xf32, #tpu.memory_space<hbm>>
    %dma_start3A_1063 = tpu.memref_slice %arg8[%dma_start3A_1055] : memref<2x!tpu.dma_semaphore, #tpu.memory_space<semaphore_mem>> -> memref<1x!tpu.dma_semaphore, #tpu.memory_space<semaphore_mem>>
    %dma_start3A_1064 = tpu.memref_squeeze %dma_start3A_1063 : memref<1x!tpu.dma_semaphore, #tpu.memory_space<semaphore_mem>> -> memref<!tpu.dma_semaphore, #tpu.memory_space<semaphore_mem>>
    tpu.enqueue_indirect_dma source(%dma_start3A_1059 : memref<16x2000xf32, #tpu.memory_space<vmem>>) target(%dma_start3A_1062 : memref<10240x2000xf32, #tpu.memory_space<hbm>>) offsets(%add3A_1053 : vector<16xi32>) semaphore(%dma_start3A_1064 : memref<!tpu.dma_semaphore, #tpu.memory_space<semaphore_mem>>)
    %add3A_1065 = arith.constant 32 : i32
    %add3A_1066 = arith.addi %mul3A_2, %add3A_1065 : i32
    %add3A_1067 = vector.broadcast %add3A_1066 : i32 to vector<16xi32>
    %add3A_1068 = arith.addi %add3A_1067, %iota3A : vector<16xi32>
    %mul3A_1069 = arith.constant 5 : i32
    %mul3A_1070 = vector.broadcast %mul3A_1069 : i32 to vector<16xi32>
    %mul3A_1071 = arith.muli %add3A_1068, %mul3A_1070 : vector<16xi32>
    %add3A_1072 = arith.constant 2 : i32
    %add3A_1073 = vector.broadcast %add3A_1072 : i32 to vector<16xi32>
    %add3A_1074 = arith.addi %mul3A_1071, %add3A_1073 : vector<16xi32>
    %dma_wait3A_1075 = arith.constant 0 : i32
    %dma_wait3A_1076 = arith.constant 0 : i32
    %dma_wait3A_1077 = arith.constant 0 : i32
    %dma_wait3A_1078 = arith.constant 0 : i32
    %dma_wait3A_1079 = tpu.memref_slice %arg6[%dma_wait3A_1075, %dma_wait3A_1077, %dma_wait3A_1078] : memref<2x16x2000xf32, #tpu.memory_space<vmem>> -> memref<1x16x2000xf32, #tpu.memory_space<vmem>>
    %dma_wait3A_1080 = tpu.memref_squeeze %dma_wait3A_1079 : memref<1x16x2000xf32, #tpu.memory_space<vmem>> -> memref<16x2000xf32, #tpu.memory_space<vmem>>
    %dma_wait3A_1081 = arith.constant 0 : i32
    %dma_wait3A_1082 = arith.constant 0 : i32
    %dma_wait3A_1083 = tpu.memref_slice %arg4[%dma_wait3A_1081, %dma_wait3A_1082] : memref<10240x2000xf32, #tpu.memory_space<hbm>> -> memref<10240x2000xf32, #tpu.memory_space<hbm>>
    %dma_wait3A_1084 = tpu.memref_slice %arg8[%dma_wait3A_1076] : memref<2x!tpu.dma_semaphore, #tpu.memory_space<semaphore_mem>> -> memref<1x!tpu.dma_semaphore, #tpu.memory_space<semaphore_mem>>
    %dma_wait3A_1085 = tpu.memref_squeeze %dma_wait3A_1084 : memref<1x!tpu.dma_semaphore, #tpu.memory_space<semaphore_mem>> -> memref<!tpu.dma_semaphore, #tpu.memory_space<semaphore_mem>>
    tpu.wait_indirect_dma semaphore(%dma_wait3A_1085 : memref<!tpu.dma_semaphore, #tpu.memory_space<semaphore_mem>>) src(%dma_wait3A_1080 : memref<16x2000xf32, #tpu.memory_space<vmem>>) dst(%dma_wait3A_1083 : memref<10240x2000xf32, #tpu.memory_space<hbm>>)
    %get3A_1086 = arith.constant 32 : index
    %get3A_1087 = tpu.vector_load %arg5[%get3A_1086] {strides = array<i32>} : memref<64xi32, #tpu.memory_space<vmem>>, vector<16xi32>,
    %get3A_1088 = vector.shape_cast %get3A_1087 : vector<16xi32> to vector<16xi32>
    %mul3A_1089 = arith.constant 5 : i32
    %mul3A_1090 = vector.broadcast %mul3A_1089 : i32 to vector<16xi32>
    %mul3A_1091 = arith.muli %get3A_1088, %mul3A_1090 : vector<16xi32>
    %add3A_1092 = arith.constant 4 : i32
    %add3A_1093 = vector.broadcast %add3A_1092 : i32 to vector<16xi32>
    %add3A_1094 = arith.addi %mul3A_1091, %add3A_1093 : vector<16xi32>
    %dma_start3A_1095 = arith.constant 0 : i32
    %dma_start3A_1096 = arith.constant 0 : i32
    %dma_start3A_1097 = arith.constant 0 : i32
    %dma_start3A_1098 = arith.constant 0 : i32
    %dma_start3A_1099 = tpu.memref_slice %arg6[%dma_start3A_1095, %dma_start3A_1097, %dma_start3A_1098] : memref<2x16x2000xf32, #tpu.memory_space<vmem>> -> memref<1x16x2000xf32, #tpu.memory_space<vmem>>
    %dma_start3A_1100 = tpu.memref_squeeze %dma_start3A_1099 : memref<1x16x2000xf32, #tpu.memory_space<vmem>> -> memref<16x2000xf32, #tpu.memory_space<vmem>>
    %dma_start3A_1101 = arith.constant 0 : i32
    %dma_start3A_1102 = arith.constant 0 : i32
    %dma_start3A_1103 = tpu.memref_slice %arg2[%dma_start3A_1101, %dma_start3A_1102] : memref<50000x2000xf32, #tpu.memory_space<hbm>> -> memref<50000x2000xf32, #tpu.memory_space<hbm>>
    %dma_start3A_1104 = tpu.memref_slice %arg7[%dma_start3A_1096] : memref<2x!tpu.dma_semaphore, #tpu.memory_space<semaphore_mem>> -> memref<1x!tpu.dma_semaphore, #tpu.memory_space<semaphore_mem>>
    %dma_start3A_1105 = tpu.memref_squeeze %dma_start3A_1104 : memref<1x!tpu.dma_semaphore, #tpu.memory_space<semaphore_mem>> -> memref<!tpu.dma_semaphore, #tpu.memory_space<semaphore_mem>>
    tpu.enqueue_indirect_dma source(%dma_start3A_1103 : memref<50000x2000xf32, #tpu.memory_space<hbm>>) target(%dma_start3A_1100 : memref<16x2000xf32, #tpu.memory_space<vmem>>) offsets(%add3A_1094 : vector<16xi32>) semaphore(%dma_start3A_1105 : memref<!tpu.dma_semaphore, #tpu.memory_space<semaphore_mem>>)
    %get3A_1106 = arith.constant 32 : index
    %get3A_1107 = tpu.vector_load %arg5[%get3A_1106] {strides = array<i32>} : memref<64xi32, #tpu.memory_space<vmem>>, vector<16xi32>,
    %get3A_1108 = vector.shape_cast %get3A_1107 : vector<16xi32> to vector<16xi32>
    %mul3A_1109 = arith.constant 5 : i32
    %mul3A_1110 = vector.broadcast %mul3A_1109 : i32 to vector<16xi32>
    %mul3A_1111 = arith.muli %get3A_1108, %mul3A_1110 : vector<16xi32>
    %add3A_1112 = arith.constant 3 : i32
    %add3A_1113 = vector.broadcast %add3A_1112 : i32 to vector<16xi32>
    %add3A_1114 = arith.addi %mul3A_1111, %add3A_1113 : vector<16xi32>
    %dma_wait3A_1115 = arith.constant 1 : i32
    %dma_wait3A_1116 = arith.constant 1 : i32
    %dma_wait3A_1117 = arith.constant 0 : i32
    %dma_wait3A_1118 = arith.constant 0 : i32
    %dma_wait3A_1119 = tpu.memref_slice %arg6[%dma_wait3A_1115, %dma_wait3A_1117, %dma_wait3A_1118] : memref<2x16x2000xf32, #tpu.memory_space<vmem>> -> memref<1x16x2000xf32, #tpu.memory_space<vmem>>
    %dma_wait3A_1120 = tpu.memref_squeeze %dma_wait3A_1119 : memref<1x16x2000xf32, #tpu.memory_space<vmem>> -> memref<16x2000xf32, #tpu.memory_space<vmem>>
    %dma_wait3A_1121 = arith.constant 0 : i32
    %dma_wait3A_1122 = arith.constant 0 : i32
    %dma_wait3A_1123 = tpu.memref_slice %arg2[%dma_wait3A_1121, %dma_wait3A_1122] : memref<50000x2000xf32, #tpu.memory_space<hbm>> -> memref<50000x2000xf32, #tpu.memory_space<hbm>>
    %dma_wait3A_1124 = tpu.memref_slice %arg7[%dma_wait3A_1116] : memref<2x!tpu.dma_semaphore, #tpu.memory_space<semaphore_mem>> -> memref<1x!tpu.dma_semaphore, #tpu.memory_space<semaphore_mem>>
    %dma_wait3A_1125 = tpu.memref_squeeze %dma_wait3A_1124 : memref<1x!tpu.dma_semaphore, #tpu.memory_space<semaphore_mem>> -> memref<!tpu.dma_semaphore, #tpu.memory_space<semaphore_mem>>
    tpu.wait_indirect_dma semaphore(%dma_wait3A_1125 : memref<!tpu.dma_semaphore, #tpu.memory_space<semaphore_mem>>) src(%dma_wait3A_1123 : memref<50000x2000xf32, #tpu.memory_space<hbm>>) dst(%dma_wait3A_1120 : memref<16x2000xf32, #tpu.memory_space<vmem>>)
    %add3A_1126 = arith.constant 32 : i32
    %add3A_1127 = arith.addi %mul3A_2, %add3A_1126 : i32
    %add3A_1128 = vector.broadcast %add3A_1127 : i32 to vector<16xi32>
    %add3A_1129 = arith.addi %add3A_1128, %iota3A : vector<16xi32>
    %mul3A_1130 = arith.constant 5 : i32
    %mul3A_1131 = vector.broadcast %mul3A_1130 : i32 to vector<16xi32>
    %mul3A_1132 = arith.muli %add3A_1129, %mul3A_1131 : vector<16xi32>
    %add3A_1133 = arith.constant 3 : i32
    %add3A_1134 = vector.broadcast %add3A_1133 : i32 to vector<16xi32>
    %add3A_1135 = arith.addi %mul3A_1132, %add3A_1134 : vector<16xi32>
    %dma_start3A_1136 = arith.constant 1 : i32
    %dma_start3A_1137 = arith.constant 1 : i32
    %dma_start3A_1138 = arith.constant 0 : i32
    %dma_start3A_1139 = arith.constant 0 : i32
    %dma_start3A_1140 = tpu.memref_slice %arg6[%dma_start3A_1136, %dma_start3A_1138, %dma_start3A_1139] : memref<2x16x2000xf32, #tpu.memory_space<vmem>> -> memref<1x16x2000xf32, #tpu.memory_space<vmem>>
    %dma_start3A_1141 = tpu.memref_squeeze %dma_start3A_1140 : memref<1x16x2000xf32, #tpu.memory_space<vmem>> -> memref<16x2000xf32, #tpu.memory_space<vmem>>
    %dma_start3A_1142 = arith.constant 0 : i32
    %dma_start3A_1143 = arith.constant 0 : i32
    %dma_start3A_1144 = tpu.memref_slice %arg4[%dma_start3A_1142, %dma_start3A_1143] : memref<10240x2000xf32, #tpu.memory_space<hbm>> -> memref<10240x2000xf32, #tpu.memory_space<hbm>>
    %dma_start3A_1145 = tpu.memref_slice %arg8[%dma_start3A_1137] : memref<2x!tpu.dma_semaphore, #tpu.memory_space<semaphore_mem>> -> memref<1x!tpu.dma_semaphore, #tpu.memory_space<semaphore_mem>>
    %dma_start3A_1146 = tpu.memref_squeeze %dma_start3A_1145 : memref<1x!tpu.dma_semaphore, #tpu.memory_space<semaphore_mem>> -> memref<!tpu.dma_semaphore, #tpu.memory_space<semaphore_mem>>
    tpu.enqueue_indirect_dma source(%dma_start3A_1141 : memref<16x2000xf32, #tpu.memory_space<vmem>>) target(%dma_start3A_1144 : memref<10240x2000xf32, #tpu.memory_space<hbm>>) offsets(%add3A_1135 : vector<16xi32>) semaphore(%dma_start3A_1146 : memref<!tpu.dma_semaphore, #tpu.memory_space<semaphore_mem>>)
    %add3A_1147 = arith.constant 32 : i32
    %add3A_1148 = arith.addi %mul3A_2, %add3A_1147 : i32
    %add3A_1149 = vector.broadcast %add3A_1148 : i32 to vector<16xi32>
    %add3A_1150 = arith.addi %add3A_1149, %iota3A : vector<16xi32>
    %mul3A_1151 = arith.constant 5 : i32
    %mul3A_1152 = vector.broadcast %mul3A_1151 : i32 to vector<16xi32>
    %mul3A_1153 = arith.muli %add3A_1150, %mul3A_1152 : vector<16xi32>
    %add3A_1154 = arith.constant 3 : i32
    %add3A_1155 = vector.broadcast %add3A_1154 : i32 to vector<16xi32>
    %add3A_1156 = arith.addi %mul3A_1153, %add3A_1155 : vector<16xi32>
    %dma_wait3A_1157 = arith.constant 1 : i32
    %dma_wait3A_1158 = arith.constant 1 : i32
    %dma_wait3A_1159 = arith.constant 0 : i32
    %dma_wait3A_1160 = arith.constant 0 : i32
    %dma_wait3A_1161 = tpu.memref_slice %arg6[%dma_wait3A_1157, %dma_wait3A_1159, %dma_wait3A_1160] : memref<2x16x2000xf32, #tpu.memory_space<vmem>> -> memref<1x16x2000xf32, #tpu.memory_space<vmem>>
    %dma_wait3A_1162 = tpu.memref_squeeze %dma_wait3A_1161 : memref<1x16x2000xf32, #tpu.memory_space<vmem>> -> memref<16x2000xf32, #tpu.memory_space<vmem>>
    %dma_wait3A_1163 = arith.constant 0 : i32
    %dma_wait3A_1164 = arith.constant 0 : i32
    %dma_wait3A_1165 = tpu.memref_slice %arg4[%dma_wait3A_1163, %dma_wait3A_1164] : memref<10240x2000xf32, #tpu.memory_space<hbm>> -> memref<10240x2000xf32, #tpu.memory_space<hbm>>
    %dma_wait3A_1166 = tpu.memref_slice %arg8[%dma_wait3A_1158] : memref<2x!tpu.dma_semaphore, #tpu.memory_space<semaphore_mem>> -> memref<1x!tpu.dma_semaphore, #tpu.memory_space<semaphore_mem>>
    %dma_wait3A_1167 = tpu.memref_squeeze %dma_wait3A_1166 : memref<1x!tpu.dma_semaphore, #tpu.memory_space<semaphore_mem>> -> memref<!tpu.dma_semaphore, #tpu.memory_space<semaphore_mem>>
    tpu.wait_indirect_dma semaphore(%dma_wait3A_1167 : memref<!tpu.dma_semaphore, #tpu.memory_space<semaphore_mem>>) src(%dma_wait3A_1162 : memref<16x2000xf32, #tpu.memory_space<vmem>>) dst(%dma_wait3A_1165 : memref<10240x2000xf32, #tpu.memory_space<hbm>>)
    %get3A_1168 = arith.constant 48 : index
    %get3A_1169 = tpu.vector_load %arg5[%get3A_1168] {strides = array<i32>} : memref<64xi32, #tpu.memory_space<vmem>>, vector<16xi32>,
    %get3A_1170 = vector.shape_cast %get3A_1169 : vector<16xi32> to vector<16xi32>
    %mul3A_1171 = arith.constant 5 : i32
    %mul3A_1172 = vector.broadcast %mul3A_1171 : i32 to vector<16xi32>
    %mul3A_1173 = arith.muli %get3A_1170, %mul3A_1172 : vector<16xi32>
    %add3A_1174 = arith.constant 0 : i32
    %add3A_1175 = vector.broadcast %add3A_1174 : i32 to vector<16xi32>
    %add3A_1176 = arith.addi %mul3A_1173, %add3A_1175 : vector<16xi32>
    %dma_start3A_1177 = arith.constant 1 : i32
    %dma_start3A_1178 = arith.constant 1 : i32
    %dma_start3A_1179 = arith.constant 0 : i32
    %dma_start3A_1180 = arith.constant 0 : i32
    %dma_start3A_1181 = tpu.memref_slice %arg6[%dma_start3A_1177, %dma_start3A_1179, %dma_start3A_1180] : memref<2x16x2000xf32, #tpu.memory_space<vmem>> -> memref<1x16x2000xf32, #tpu.memory_space<vmem>>
    %dma_start3A_1182 = tpu.memref_squeeze %dma_start3A_1181 : memref<1x16x2000xf32, #tpu.memory_space<vmem>> -> memref<16x2000xf32, #tpu.memory_space<vmem>>
    %dma_start3A_1183 = arith.constant 0 : i32
    %dma_start3A_1184 = arith.constant 0 : i32
    %dma_start3A_1185 = tpu.memref_slice %arg2[%dma_start3A_1183, %dma_start3A_1184] : memref<50000x2000xf32, #tpu.memory_space<hbm>> -> memref<50000x2000xf32, #tpu.memory_space<hbm>>
    %dma_start3A_1186 = tpu.memref_slice %arg7[%dma_start3A_1178] : memref<2x!tpu.dma_semaphore, #tpu.memory_space<semaphore_mem>> -> memref<1x!tpu.dma_semaphore, #tpu.memory_space<semaphore_mem>>
    %dma_start3A_1187 = tpu.memref_squeeze %dma_start3A_1186 : memref<1x!tpu.dma_semaphore, #tpu.memory_space<semaphore_mem>> -> memref<!tpu.dma_semaphore, #tpu.memory_space<semaphore_mem>>
    tpu.enqueue_indirect_dma source(%dma_start3A_1185 : memref<50000x2000xf32, #tpu.memory_space<hbm>>) target(%dma_start3A_1182 : memref<16x2000xf32, #tpu.memory_space<vmem>>) offsets(%add3A_1176 : vector<16xi32>) semaphore(%dma_start3A_1187 : memref<!tpu.dma_semaphore, #tpu.memory_space<semaphore_mem>>)
    %get3A_1188 = arith.constant 32 : index
    %get3A_1189 = tpu.vector_load %arg5[%get3A_1188] {strides = array<i32>} : memref<64xi32, #tpu.memory_space<vmem>>, vector<16xi32>,
    %get3A_1190 = vector.shape_cast %get3A_1189 : vector<16xi32> to vector<16xi32>
    %mul3A_1191 = arith.constant 5 : i32
    %mul3A_1192 = vector.broadcast %mul3A_1191 : i32 to vector<16xi32>
    %mul3A_1193 = arith.muli %get3A_1190, %mul3A_1192 : vector<16xi32>
    %add3A_1194 = arith.constant 4 : i32
    %add3A_1195 = vector.broadcast %add3A_1194 : i32 to vector<16xi32>
    %add3A_1196 = arith.addi %mul3A_1193, %add3A_1195 : vector<16xi32>
    %dma_wait3A_1197 = arith.constant 0 : i32
    %dma_wait3A_1198 = arith.constant 0 : i32
    %dma_wait3A_1199 = arith.constant 0 : i32
    %dma_wait3A_1200 = arith.constant 0 : i32
    %dma_wait3A_1201 = tpu.memref_slice %arg6[%dma_wait3A_1197, %dma_wait3A_1199, %dma_wait3A_1200] : memref<2x16x2000xf32, #tpu.memory_space<vmem>> -> memref<1x16x2000xf32, #tpu.memory_space<vmem>>
    %dma_wait3A_1202 = tpu.memref_squeeze %dma_wait3A_1201 : memref<1x16x2000xf32, #tpu.memory_space<vmem>> -> memref<16x2000xf32, #tpu.memory_space<vmem>>
    %dma_wait3A_1203 = arith.constant 0 : i32
    %dma_wait3A_1204 = arith.constant 0 : i32
    %dma_wait3A_1205 = tpu.memref_slice %arg2[%dma_wait3A_1203, %dma_wait3A_1204] : memref<50000x2000xf32, #tpu.memory_space<hbm>> -> memref<50000x2000xf32, #tpu.memory_space<hbm>>
    %dma_wait3A_1206 = tpu.memref_slice %arg7[%dma_wait3A_1198] : memref<2x!tpu.dma_semaphore, #tpu.memory_space<semaphore_mem>> -> memref<1x!tpu.dma_semaphore, #tpu.memory_space<semaphore_mem>>
    %dma_wait3A_1207 = tpu.memref_squeeze %dma_wait3A_1206 : memref<1x!tpu.dma_semaphore, #tpu.memory_space<semaphore_mem>> -> memref<!tpu.dma_semaphore, #tpu.memory_space<semaphore_mem>>
    tpu.wait_indirect_dma semaphore(%dma_wait3A_1207 : memref<!tpu.dma_semaphore, #tpu.memory_space<semaphore_mem>>) src(%dma_wait3A_1205 : memref<50000x2000xf32, #tpu.memory_space<hbm>>) dst(%dma_wait3A_1202 : memref<16x2000xf32, #tpu.memory_space<vmem>>)
    %add3A_1208 = arith.constant 32 : i32
    %add3A_1209 = arith.addi %mul3A_2, %add3A_1208 : i32
    %add3A_1210 = vector.broadcast %add3A_1209 : i32 to vector<16xi32>
    %add3A_1211 = arith.addi %add3A_1210, %iota3A : vector<16xi32>
    %mul3A_1212 = arith.constant 5 : i32
    %mul3A_1213 = vector.broadcast %mul3A_1212 : i32 to vector<16xi32>
    %mul3A_1214 = arith.muli %add3A_1211, %mul3A_1213 : vector<16xi32>
    %add3A_1215 = arith.constant 4 : i32
    %add3A_1216 = vector.broadcast %add3A_1215 : i32 to vector<16xi32>
    %add3A_1217 = arith.addi %mul3A_1214, %add3A_1216 : vector<16xi32>
    %dma_start3A_1218 = arith.constant 0 : i32
    %dma_start3A_1219 = arith.constant 0 : i32
    %dma_start3A_1220 = arith.constant 0 : i32
    %dma_start3A_1221 = arith.constant 0 : i32
    %dma_start3A_1222 = tpu.memref_slice %arg6[%dma_start3A_1218, %dma_start3A_1220, %dma_start3A_1221] : memref<2x16x2000xf32, #tpu.memory_space<vmem>> -> memref<1x16x2000xf32, #tpu.memory_space<vmem>>
    %dma_start3A_1223 = tpu.memref_squeeze %dma_start3A_1222 : memref<1x16x2000xf32, #tpu.memory_space<vmem>> -> memref<16x2000xf32, #tpu.memory_space<vmem>>
    %dma_start3A_1224 = arith.constant 0 : i32
    %dma_start3A_1225 = arith.constant 0 : i32
    %dma_start3A_1226 = tpu.memref_slice %arg4[%dma_start3A_1224, %dma_start3A_1225] : memref<10240x2000xf32, #tpu.memory_space<hbm>> -> memref<10240x2000xf32, #tpu.memory_space<hbm>>
    %dma_start3A_1227 = tpu.memref_slice %arg8[%dma_start3A_1219] : memref<2x!tpu.dma_semaphore, #tpu.memory_space<semaphore_mem>> -> memref<1x!tpu.dma_semaphore, #tpu.memory_space<semaphore_mem>>
    %dma_start3A_1228 = tpu.memref_squeeze %dma_start3A_1227 : memref<1x!tpu.dma_semaphore, #tpu.memory_space<semaphore_mem>> -> memref<!tpu.dma_semaphore, #tpu.memory_space<semaphore_mem>>
    tpu.enqueue_indirect_dma source(%dma_start3A_1223 : memref<16x2000xf32, #tpu.memory_space<vmem>>) target(%dma_start3A_1226 : memref<10240x2000xf32, #tpu.memory_space<hbm>>) offsets(%add3A_1217 : vector<16xi32>) semaphore(%dma_start3A_1228 : memref<!tpu.dma_semaphore, #tpu.memory_space<semaphore_mem>>)
    %add3A_1229 = arith.constant 32 : i32
    %add3A_1230 = arith.addi %mul3A_2, %add3A_1229 : i32
    %add3A_1231 = vector.broadcast %add3A_1230 : i32 to vector<16xi32>
    %add3A_1232 = arith.addi %add3A_1231, %iota3A : vector<16xi32>
    %mul3A_1233 = arith.constant 5 : i32
    %mul3A_1234 = vector.broadcast %mul3A_1233 : i32 to vector<16xi32>
    %mul3A_1235 = arith.muli %add3A_1232, %mul3A_1234 : vector<16xi32>
    %add3A_1236 = arith.constant 4 : i32
    %add3A_1237 = vector.broadcast %add3A_1236 : i32 to vector<16xi32>
    %add3A_1238 = arith.addi %mul3A_1235, %add3A_1237 : vector<16xi32>
    %dma_wait3A_1239 = arith.constant 0 : i32
    %dma_wait3A_1240 = arith.constant 0 : i32
    %dma_wait3A_1241 = arith.constant 0 : i32
    %dma_wait3A_1242 = arith.constant 0 : i32
    %dma_wait3A_1243 = tpu.memref_slice %arg6[%dma_wait3A_1239, %dma_wait3A_1241, %dma_wait3A_1242] : memref<2x16x2000xf32, #tpu.memory_space<vmem>> -> memref<1x16x2000xf32, #tpu.memory_space<vmem>>
    %dma_wait3A_1244 = tpu.memref_squeeze %dma_wait3A_1243 : memref<1x16x2000xf32, #tpu.memory_space<vmem>> -> memref<16x2000xf32, #tpu.memory_space<vmem>>
    %dma_wait3A_1245 = arith.constant 0 : i32
    %dma_wait3A_1246 = arith.constant 0 : i32
    %dma_wait3A_1247 = tpu.memref_slice %arg4[%dma_wait3A_1245, %dma_wait3A_1246] : memref<10240x2000xf32, #tpu.memory_space<hbm>> -> memref<10240x2000xf32, #tpu.memory_space<hbm>>
    %dma_wait3A_1248 = tpu.memref_slice %arg8[%dma_wait3A_1240] : memref<2x!tpu.dma_semaphore, #tpu.memory_space<semaphore_mem>> -> memref<1x!tpu.dma_semaphore, #tpu.memory_space<semaphore_mem>>
    %dma_wait3A_1249 = tpu.memref_squeeze %dma_wait3A_1248 : memref<1x!tpu.dma_semaphore, #tpu.memory_space<semaphore_mem>> -> memref<!tpu.dma_semaphore, #tpu.memory_space<semaphore_mem>>
    tpu.wait_indirect_dma semaphore(%dma_wait3A_1249 : memref<!tpu.dma_semaphore, #tpu.memory_space<semaphore_mem>>) src(%dma_wait3A_1244 : memref<16x2000xf32, #tpu.memory_space<vmem>>) dst(%dma_wait3A_1247 : memref<10240x2000xf32, #tpu.memory_space<hbm>>)
    %get3A_1250 = arith.constant 48 : index
    %get3A_1251 = tpu.vector_load %arg5[%get3A_1250] {strides = array<i32>} : memref<64xi32, #tpu.memory_space<vmem>>, vector<16xi32>,
    %get3A_1252 = vector.shape_cast %get3A_1251 : vector<16xi32> to vector<16xi32>
    %mul3A_1253 = arith.constant 5 : i32
    %mul3A_1254 = vector.broadcast %mul3A_1253 : i32 to vector<16xi32>
    %mul3A_1255 = arith.muli %get3A_1252, %mul3A_1254 : vector<16xi32>
    %add3A_1256 = arith.constant 1 : i32
    %add3A_1257 = vector.broadcast %add3A_1256 : i32 to vector<16xi32>
    %add3A_1258 = arith.addi %mul3A_1255, %add3A_1257 : vector<16xi32>
    %dma_start3A_1259 = arith.constant 0 : i32
    %dma_start3A_1260 = arith.constant 0 : i32
    %dma_start3A_1261 = arith.constant 0 : i32
    %dma_start3A_1262 = arith.constant 0 : i32
    %dma_start3A_1263 = tpu.memref_slice %arg6[%dma_start3A_1259, %dma_start3A_1261, %dma_start3A_1262] : memref<2x16x2000xf32, #tpu.memory_space<vmem>> -> memref<1x16x2000xf32, #tpu.memory_space<vmem>>
    %dma_start3A_1264 = tpu.memref_squeeze %dma_start3A_1263 : memref<1x16x2000xf32, #tpu.memory_space<vmem>> -> memref<16x2000xf32, #tpu.memory_space<vmem>>
    %dma_start3A_1265 = arith.constant 0 : i32
    %dma_start3A_1266 = arith.constant 0 : i32
    %dma_start3A_1267 = tpu.memref_slice %arg2[%dma_start3A_1265, %dma_start3A_1266] : memref<50000x2000xf32, #tpu.memory_space<hbm>> -> memref<50000x2000xf32, #tpu.memory_space<hbm>>
    %dma_start3A_1268 = tpu.memref_slice %arg7[%dma_start3A_1260] : memref<2x!tpu.dma_semaphore, #tpu.memory_space<semaphore_mem>> -> memref<1x!tpu.dma_semaphore, #tpu.memory_space<semaphore_mem>>
    %dma_start3A_1269 = tpu.memref_squeeze %dma_start3A_1268 : memref<1x!tpu.dma_semaphore, #tpu.memory_space<semaphore_mem>> -> memref<!tpu.dma_semaphore, #tpu.memory_space<semaphore_mem>>
    tpu.enqueue_indirect_dma source(%dma_start3A_1267 : memref<50000x2000xf32, #tpu.memory_space<hbm>>) target(%dma_start3A_1264 : memref<16x2000xf32, #tpu.memory_space<vmem>>) offsets(%add3A_1258 : vector<16xi32>) semaphore(%dma_start3A_1269 : memref<!tpu.dma_semaphore, #tpu.memory_space<semaphore_mem>>)
    %get3A_1270 = arith.constant 48 : index
    %get3A_1271 = tpu.vector_load %arg5[%get3A_1270] {strides = array<i32>} : memref<64xi32, #tpu.memory_space<vmem>>, vector<16xi32>,
    %get3A_1272 = vector.shape_cast %get3A_1271 : vector<16xi32> to vector<16xi32>
    %mul3A_1273 = arith.constant 5 : i32
    %mul3A_1274 = vector.broadcast %mul3A_1273 : i32 to vector<16xi32>
    %mul3A_1275 = arith.muli %get3A_1272, %mul3A_1274 : vector<16xi32>
    %add3A_1276 = arith.constant 0 : i32
    %add3A_1277 = vector.broadcast %add3A_1276 : i32 to vector<16xi32>
    %add3A_1278 = arith.addi %mul3A_1275, %add3A_1277 : vector<16xi32>
    %dma_wait3A_1279 = arith.constant 1 : i32
    %dma_wait3A_1280 = arith.constant 1 : i32
    %dma_wait3A_1281 = arith.constant 0 : i32
    %dma_wait3A_1282 = arith.constant 0 : i32
    %dma_wait3A_1283 = tpu.memref_slice %arg6[%dma_wait3A_1279, %dma_wait3A_1281, %dma_wait3A_1282] : memref<2x16x2000xf32, #tpu.memory_space<vmem>> -> memref<1x16x2000xf32, #tpu.memory_space<vmem>>
    %dma_wait3A_1284 = tpu.memref_squeeze %dma_wait3A_1283 : memref<1x16x2000xf32, #tpu.memory_space<vmem>> -> memref<16x2000xf32, #tpu.memory_space<vmem>>
    %dma_wait3A_1285 = arith.constant 0 : i32
    %dma_wait3A_1286 = arith.constant 0 : i32
    %dma_wait3A_1287 = tpu.memref_slice %arg2[%dma_wait3A_1285, %dma_wait3A_1286] : memref<50000x2000xf32, #tpu.memory_space<hbm>> -> memref<50000x2000xf32, #tpu.memory_space<hbm>>
    %dma_wait3A_1288 = tpu.memref_slice %arg7[%dma_wait3A_1280] : memref<2x!tpu.dma_semaphore, #tpu.memory_space<semaphore_mem>> -> memref<1x!tpu.dma_semaphore, #tpu.memory_space<semaphore_mem>>
    %dma_wait3A_1289 = tpu.memref_squeeze %dma_wait3A_1288 : memref<1x!tpu.dma_semaphore, #tpu.memory_space<semaphore_mem>> -> memref<!tpu.dma_semaphore, #tpu.memory_space<semaphore_mem>>
    tpu.wait_indirect_dma semaphore(%dma_wait3A_1289 : memref<!tpu.dma_semaphore, #tpu.memory_space<semaphore_mem>>) src(%dma_wait3A_1287 : memref<50000x2000xf32, #tpu.memory_space<hbm>>) dst(%dma_wait3A_1284 : memref<16x2000xf32, #tpu.memory_space<vmem>>)
    %add3A_1290 = arith.constant 48 : i32
    %add3A_1291 = arith.addi %mul3A_2, %add3A_1290 : i32
    %add3A_1292 = vector.broadcast %add3A_1291 : i32 to vector<16xi32>
    %add3A_1293 = arith.addi %add3A_1292, %iota3A : vector<16xi32>
    %mul3A_1294 = arith.constant 5 : i32
    %mul3A_1295 = vector.broadcast %mul3A_1294 : i32 to vector<16xi32>
    %mul3A_1296 = arith.muli %add3A_1293, %mul3A_1295 : vector<16xi32>
    %add3A_1297 = arith.constant 0 : i32
    %add3A_1298 = vector.broadcast %add3A_1297 : i32 to vector<16xi32>
    %add3A_1299 = arith.addi %mul3A_1296, %add3A_1298 : vector<16xi32>
    %dma_start3A_1300 = arith.constant 1 : i32
    %dma_start3A_1301 = arith.constant 1 : i32
    %dma_start3A_1302 = arith.constant 0 : i32
    %dma_start3A_1303 = arith.constant 0 : i32
    %dma_start3A_1304 = tpu.memref_slice %arg6[%dma_start3A_1300, %dma_start3A_1302, %dma_start3A_1303] : memref<2x16x2000xf32, #tpu.memory_space<vmem>> -> memref<1x16x2000xf32, #tpu.memory_space<vmem>>
    %dma_start3A_1305 = tpu.memref_squeeze %dma_start3A_1304 : memref<1x16x2000xf32, #tpu.memory_space<vmem>> -> memref<16x2000xf32, #tpu.memory_space<vmem>>
    %dma_start3A_1306 = arith.constant 0 : i32
    %dma_start3A_1307 = arith.constant 0 : i32
    %dma_start3A_1308 = tpu.memref_slice %arg4[%dma_start3A_1306, %dma_start3A_1307] : memref<10240x2000xf32, #tpu.memory_space<hbm>> -> memref<10240x2000xf32, #tpu.memory_space<hbm>>
    %dma_start3A_1309 = tpu.memref_slice %arg8[%dma_start3A_1301] : memref<2x!tpu.dma_semaphore, #tpu.memory_space<semaphore_mem>> -> memref<1x!tpu.dma_semaphore, #tpu.memory_space<semaphore_mem>>
    %dma_start3A_1310 = tpu.memref_squeeze %dma_start3A_1309 : memref<1x!tpu.dma_semaphore, #tpu.memory_space<semaphore_mem>> -> memref<!tpu.dma_semaphore, #tpu.memory_space<semaphore_mem>>
    tpu.enqueue_indirect_dma source(%dma_start3A_1305 : memref<16x2000xf32, #tpu.memory_space<vmem>>) target(%dma_start3A_1308 : memref<10240x2000xf32, #tpu.memory_space<hbm>>) offsets(%add3A_1299 : vector<16xi32>) semaphore(%dma_start3A_1310 : memref<!tpu.dma_semaphore, #tpu.memory_space<semaphore_mem>>)
    %add3A_1311 = arith.constant 48 : i32
    %add3A_1312 = arith.addi %mul3A_2, %add3A_1311 : i32
    %add3A_1313 = vector.broadcast %add3A_1312 : i32 to vector<16xi32>
    %add3A_1314 = arith.addi %add3A_1313, %iota3A : vector<16xi32>
    %mul3A_1315 = arith.constant 5 : i32
    %mul3A_1316 = vector.broadcast %mul3A_1315 : i32 to vector<16xi32>
    %mul3A_1317 = arith.muli %add3A_1314, %mul3A_1316 : vector<16xi32>
    %add3A_1318 = arith.constant 0 : i32
    %add3A_1319 = vector.broadcast %add3A_1318 : i32 to vector<16xi32>
    %add3A_1320 = arith.addi %mul3A_1317, %add3A_1319 : vector<16xi32>
    %dma_wait3A_1321 = arith.constant 1 : i32
    %dma_wait3A_1322 = arith.constant 1 : i32
    %dma_wait3A_1323 = arith.constant 0 : i32
    %dma_wait3A_1324 = arith.constant 0 : i32
    %dma_wait3A_1325 = tpu.memref_slice %arg6[%dma_wait3A_1321, %dma_wait3A_1323, %dma_wait3A_1324] : memref<2x16x2000xf32, #tpu.memory_space<vmem>> -> memref<1x16x2000xf32, #tpu.memory_space<vmem>>
    %dma_wait3A_1326 = tpu.memref_squeeze %dma_wait3A_1325 : memref<1x16x2000xf32, #tpu.memory_space<vmem>> -> memref<16x2000xf32, #tpu.memory_space<vmem>>
    %dma_wait3A_1327 = arith.constant 0 : i32
    %dma_wait3A_1328 = arith.constant 0 : i32
    %dma_wait3A_1329 = tpu.memref_slice %arg4[%dma_wait3A_1327, %dma_wait3A_1328] : memref<10240x2000xf32, #tpu.memory_space<hbm>> -> memref<10240x2000xf32, #tpu.memory_space<hbm>>
    %dma_wait3A_1330 = tpu.memref_slice %arg8[%dma_wait3A_1322] : memref<2x!tpu.dma_semaphore, #tpu.memory_space<semaphore_mem>> -> memref<1x!tpu.dma_semaphore, #tpu.memory_space<semaphore_mem>>
    %dma_wait3A_1331 = tpu.memref_squeeze %dma_wait3A_1330 : memref<1x!tpu.dma_semaphore, #tpu.memory_space<semaphore_mem>> -> memref<!tpu.dma_semaphore, #tpu.memory_space<semaphore_mem>>
    tpu.wait_indirect_dma semaphore(%dma_wait3A_1331 : memref<!tpu.dma_semaphore, #tpu.memory_space<semaphore_mem>>) src(%dma_wait3A_1326 : memref<16x2000xf32, #tpu.memory_space<vmem>>) dst(%dma_wait3A_1329 : memref<10240x2000xf32, #tpu.memory_space<hbm>>)
    %get3A_1332 = arith.constant 48 : index
    %get3A_1333 = tpu.vector_load %arg5[%get3A_1332] {strides = array<i32>} : memref<64xi32, #tpu.memory_space<vmem>>, vector<16xi32>,
    %get3A_1334 = vector.shape_cast %get3A_1333 : vector<16xi32> to vector<16xi32>
    %mul3A_1335 = arith.constant 5 : i32
    %mul3A_1336 = vector.broadcast %mul3A_1335 : i32 to vector<16xi32>
    %mul3A_1337 = arith.muli %get3A_1334, %mul3A_1336 : vector<16xi32>
    %add3A_1338 = arith.constant 2 : i32
    %add3A_1339 = vector.broadcast %add3A_1338 : i32 to vector<16xi32>
    %add3A_1340 = arith.addi %mul3A_1337, %add3A_1339 : vector<16xi32>
    %dma_start3A_1341 = arith.constant 1 : i32
    %dma_start3A_1342 = arith.constant 1 : i32
    %dma_start3A_1343 = arith.constant 0 : i32
    %dma_start3A_1344 = arith.constant 0 : i32
    %dma_start3A_1345 = tpu.memref_slice %arg6[%dma_start3A_1341, %dma_start3A_1343, %dma_start3A_1344] : memref<2x16x2000xf32, #tpu.memory_space<vmem>> -> memref<1x16x2000xf32, #tpu.memory_space<vmem>>
    %dma_start3A_1346 = tpu.memref_squeeze %dma_start3A_1345 : memref<1x16x2000xf32, #tpu.memory_space<vmem>> -> memref<16x2000xf32, #tpu.memory_space<vmem>>
    %dma_start3A_1347 = arith.constant 0 : i32
    %dma_start3A_1348 = arith.constant 0 : i32
    %dma_start3A_1349 = tpu.memref_slice %arg2[%dma_start3A_1347, %dma_start3A_1348] : memref<50000x2000xf32, #tpu.memory_space<hbm>> -> memref<50000x2000xf32, #tpu.memory_space<hbm>>
    %dma_start3A_1350 = tpu.memref_slice %arg7[%dma_start3A_1342] : memref<2x!tpu.dma_semaphore, #tpu.memory_space<semaphore_mem>> -> memref<1x!tpu.dma_semaphore, #tpu.memory_space<semaphore_mem>>
    %dma_start3A_1351 = tpu.memref_squeeze %dma_start3A_1350 : memref<1x!tpu.dma_semaphore, #tpu.memory_space<semaphore_mem>> -> memref<!tpu.dma_semaphore, #tpu.memory_space<semaphore_mem>>
    tpu.enqueue_indirect_dma source(%dma_start3A_1349 : memref<50000x2000xf32, #tpu.memory_space<hbm>>) target(%dma_start3A_1346 : memref<16x2000xf32, #tpu.memory_space<vmem>>) offsets(%add3A_1340 : vector<16xi32>) semaphore(%dma_start3A_1351 : memref<!tpu.dma_semaphore, #tpu.memory_space<semaphore_mem>>)
    %get3A_1352 = arith.constant 48 : index
    %get3A_1353 = tpu.vector_load %arg5[%get3A_1352] {strides = array<i32>} : memref<64xi32, #tpu.memory_space<vmem>>, vector<16xi32>,
    %get3A_1354 = vector.shape_cast %get3A_1353 : vector<16xi32> to vector<16xi32>
    %mul3A_1355 = arith.constant 5 : i32
    %mul3A_1356 = vector.broadcast %mul3A_1355 : i32 to vector<16xi32>
    %mul3A_1357 = arith.muli %get3A_1354, %mul3A_1356 : vector<16xi32>
    %add3A_1358 = arith.constant 1 : i32
    %add3A_1359 = vector.broadcast %add3A_1358 : i32 to vector<16xi32>
    %add3A_1360 = arith.addi %mul3A_1357, %add3A_1359 : vector<16xi32>
    %dma_wait3A_1361 = arith.constant 0 : i32
    %dma_wait3A_1362 = arith.constant 0 : i32
    %dma_wait3A_1363 = arith.constant 0 : i32
    %dma_wait3A_1364 = arith.constant 0 : i32
    %dma_wait3A_1365 = tpu.memref_slice %arg6[%dma_wait3A_1361, %dma_wait3A_1363, %dma_wait3A_1364] : memref<2x16x2000xf32, #tpu.memory_space<vmem>> -> memref<1x16x2000xf32, #tpu.memory_space<vmem>>
    %dma_wait3A_1366 = tpu.memref_squeeze %dma_wait3A_1365 : memref<1x16x2000xf32, #tpu.memory_space<vmem>> -> memref<16x2000xf32, #tpu.memory_space<vmem>>
    %dma_wait3A_1367 = arith.constant 0 : i32
    %dma_wait3A_1368 = arith.constant 0 : i32
    %dma_wait3A_1369 = tpu.memref_slice %arg2[%dma_wait3A_1367, %dma_wait3A_1368] : memref<50000x2000xf32, #tpu.memory_space<hbm>> -> memref<50000x2000xf32, #tpu.memory_space<hbm>>
    %dma_wait3A_1370 = tpu.memref_slice %arg7[%dma_wait3A_1362] : memref<2x!tpu.dma_semaphore, #tpu.memory_space<semaphore_mem>> -> memref<1x!tpu.dma_semaphore, #tpu.memory_space<semaphore_mem>>
    %dma_wait3A_1371 = tpu.memref_squeeze %dma_wait3A_1370 : memref<1x!tpu.dma_semaphore, #tpu.memory_space<semaphore_mem>> -> memref<!tpu.dma_semaphore, #tpu.memory_space<semaphore_mem>>
    tpu.wait_indirect_dma semaphore(%dma_wait3A_1371 : memref<!tpu.dma_semaphore, #tpu.memory_space<semaphore_mem>>) src(%dma_wait3A_1369 : memref<50000x2000xf32, #tpu.memory_space<hbm>>) dst(%dma_wait3A_1366 : memref<16x2000xf32, #tpu.memory_space<vmem>>)
    %add3A_1372 = arith.constant 48 : i32
    %add3A_1373 = arith.addi %mul3A_2, %add3A_1372 : i32
    %add3A_1374 = vector.broadcast %add3A_1373 : i32 to vector<16xi32>
    %add3A_1375 = arith.addi %add3A_1374, %iota3A : vector<16xi32>
    %mul3A_1376 = arith.constant 5 : i32
    %mul3A_1377 = vector.broadcast %mul3A_1376 : i32 to vector<16xi32>
    %mul3A_1378 = arith.muli %add3A_1375, %mul3A_1377 : vector<16xi32>
    %add3A_1379 = arith.constant 1 : i32
    %add3A_1380 = vector.broadcast %add3A_1379 : i32 to vector<16xi32>
    %add3A_1381 = arith.addi %mul3A_1378, %add3A_1380 : vector<16xi32>
    %dma_start3A_1382 = arith.constant 0 : i32
    %dma_start3A_1383 = arith.constant 0 : i32
    %dma_start3A_1384 = arith.constant 0 : i32
    %dma_start3A_1385 = arith.constant 0 : i32
    %dma_start3A_1386 = tpu.memref_slice %arg6[%dma_start3A_1382, %dma_start3A_1384, %dma_start3A_1385] : memref<2x16x2000xf32, #tpu.memory_space<vmem>> -> memref<1x16x2000xf32, #tpu.memory_space<vmem>>
    %dma_start3A_1387 = tpu.memref_squeeze %dma_start3A_1386 : memref<1x16x2000xf32, #tpu.memory_space<vmem>> -> memref<16x2000xf32, #tpu.memory_space<vmem>>
    %dma_start3A_1388 = arith.constant 0 : i32
    %dma_start3A_1389 = arith.constant 0 : i32
    %dma_start3A_1390 = tpu.memref_slice %arg4[%dma_start3A_1388, %dma_start3A_1389] : memref<10240x2000xf32, #tpu.memory_space<hbm>> -> memref<10240x2000xf32, #tpu.memory_space<hbm>>
    %dma_start3A_1391 = tpu.memref_slice %arg8[%dma_start3A_1383] : memref<2x!tpu.dma_semaphore, #tpu.memory_space<semaphore_mem>> -> memref<1x!tpu.dma_semaphore, #tpu.memory_space<semaphore_mem>>
    %dma_start3A_1392 = tpu.memref_squeeze %dma_start3A_1391 : memref<1x!tpu.dma_semaphore, #tpu.memory_space<semaphore_mem>> -> memref<!tpu.dma_semaphore, #tpu.memory_space<semaphore_mem>>
    tpu.enqueue_indirect_dma source(%dma_start3A_1387 : memref<16x2000xf32, #tpu.memory_space<vmem>>) target(%dma_start3A_1390 : memref<10240x2000xf32, #tpu.memory_space<hbm>>) offsets(%add3A_1381 : vector<16xi32>) semaphore(%dma_start3A_1392 : memref<!tpu.dma_semaphore, #tpu.memory_space<semaphore_mem>>)
    %add3A_1393 = arith.constant 48 : i32
    %add3A_1394 = arith.addi %mul3A_2, %add3A_1393 : i32
    %add3A_1395 = vector.broadcast %add3A_1394 : i32 to vector<16xi32>
    %add3A_1396 = arith.addi %add3A_1395, %iota3A : vector<16xi32>
    %mul3A_1397 = arith.constant 5 : i32
    %mul3A_1398 = vector.broadcast %mul3A_1397 : i32 to vector<16xi32>
    %mul3A_1399 = arith.muli %add3A_1396, %mul3A_1398 : vector<16xi32>
    %add3A_1400 = arith.constant 1 : i32
    %add3A_1401 = vector.broadcast %add3A_1400 : i32 to vector<16xi32>
    %add3A_1402 = arith.addi %mul3A_1399, %add3A_1401 : vector<16xi32>
    %dma_wait3A_1403 = arith.constant 0 : i32
    %dma_wait3A_1404 = arith.constant 0 : i32
    %dma_wait3A_1405 = arith.constant 0 : i32
    %dma_wait3A_1406 = arith.constant 0 : i32
    %dma_wait3A_1407 = tpu.memref_slice %arg6[%dma_wait3A_1403, %dma_wait3A_1405, %dma_wait3A_1406] : memref<2x16x2000xf32, #tpu.memory_space<vmem>> -> memref<1x16x2000xf32, #tpu.memory_space<vmem>>
    %dma_wait3A_1408 = tpu.memref_squeeze %dma_wait3A_1407 : memref<1x16x2000xf32, #tpu.memory_space<vmem>> -> memref<16x2000xf32, #tpu.memory_space<vmem>>
    %dma_wait3A_1409 = arith.constant 0 : i32
    %dma_wait3A_1410 = arith.constant 0 : i32
    %dma_wait3A_1411 = tpu.memref_slice %arg4[%dma_wait3A_1409, %dma_wait3A_1410] : memref<10240x2000xf32, #tpu.memory_space<hbm>> -> memref<10240x2000xf32, #tpu.memory_space<hbm>>
    %dma_wait3A_1412 = tpu.memref_slice %arg8[%dma_wait3A_1404] : memref<2x!tpu.dma_semaphore, #tpu.memory_space<semaphore_mem>> -> memref<1x!tpu.dma_semaphore, #tpu.memory_space<semaphore_mem>>
    %dma_wait3A_1413 = tpu.memref_squeeze %dma_wait3A_1412 : memref<1x!tpu.dma_semaphore, #tpu.memory_space<semaphore_mem>> -> memref<!tpu.dma_semaphore, #tpu.memory_space<semaphore_mem>>
    tpu.wait_indirect_dma semaphore(%dma_wait3A_1413 : memref<!tpu.dma_semaphore, #tpu.memory_space<semaphore_mem>>) src(%dma_wait3A_1408 : memref<16x2000xf32, #tpu.memory_space<vmem>>) dst(%dma_wait3A_1411 : memref<10240x2000xf32, #tpu.memory_space<hbm>>)
    %get3A_1414 = arith.constant 48 : index
    %get3A_1415 = tpu.vector_load %arg5[%get3A_1414] {strides = array<i32>} : memref<64xi32, #tpu.memory_space<vmem>>, vector<16xi32>,
    %get3A_1416 = vector.shape_cast %get3A_1415 : vector<16xi32> to vector<16xi32>
    %mul3A_1417 = arith.constant 5 : i32
    %mul3A_1418 = vector.broadcast %mul3A_1417 : i32 to vector<16xi32>
    %mul3A_1419 = arith.muli %get3A_1416, %mul3A_1418 : vector<16xi32>
    %add3A_1420 = arith.constant 3 : i32
    %add3A_1421 = vector.broadcast %add3A_1420 : i32 to vector<16xi32>
    %add3A_1422 = arith.addi %mul3A_1419, %add3A_1421 : vector<16xi32>
    %dma_start3A_1423 = arith.constant 0 : i32
    %dma_start3A_1424 = arith.constant 0 : i32
    %dma_start3A_1425 = arith.constant 0 : i32
    %dma_start3A_1426 = arith.constant 0 : i32
    %dma_start3A_1427 = tpu.memref_slice %arg6[%dma_start3A_1423, %dma_start3A_1425, %dma_start3A_1426] : memref<2x16x2000xf32, #tpu.memory_space<vmem>> -> memref<1x16x2000xf32, #tpu.memory_space<vmem>>
    %dma_start3A_1428 = tpu.memref_squeeze %dma_start3A_1427 : memref<1x16x2000xf32, #tpu.memory_space<vmem>> -> memref<16x2000xf32, #tpu.memory_space<vmem>>
    %dma_start3A_1429 = arith.constant 0 : i32
    %dma_start3A_1430 = arith.constant 0 : i32
    %dma_start3A_1431 = tpu.memref_slice %arg2[%dma_start3A_1429, %dma_start3A_1430] : memref<50000x2000xf32, #tpu.memory_space<hbm>> -> memref<50000x2000xf32, #tpu.memory_space<hbm>>
    %dma_start3A_1432 = tpu.memref_slice %arg7[%dma_start3A_1424] : memref<2x!tpu.dma_semaphore, #tpu.memory_space<semaphore_mem>> -> memref<1x!tpu.dma_semaphore, #tpu.memory_space<semaphore_mem>>
    %dma_start3A_1433 = tpu.memref_squeeze %dma_start3A_1432 : memref<1x!tpu.dma_semaphore, #tpu.memory_space<semaphore_mem>> -> memref<!tpu.dma_semaphore, #tpu.memory_space<semaphore_mem>>
    tpu.enqueue_indirect_dma source(%dma_start3A_1431 : memref<50000x2000xf32, #tpu.memory_space<hbm>>) target(%dma_start3A_1428 : memref<16x2000xf32, #tpu.memory_space<vmem>>) offsets(%add3A_1422 : vector<16xi32>) semaphore(%dma_start3A_1433 : memref<!tpu.dma_semaphore, #tpu.memory_space<semaphore_mem>>)
    %get3A_1434 = arith.constant 48 : index
    %get3A_1435 = tpu.vector_load %arg5[%get3A_1434] {strides = array<i32>} : memref<64xi32, #tpu.memory_space<vmem>>, vector<16xi32>,
    %get3A_1436 = vector.shape_cast %get3A_1435 : vector<16xi32> to vector<16xi32>
    %mul3A_1437 = arith.constant 5 : i32
    %mul3A_1438 = vector.broadcast %mul3A_1437 : i32 to vector<16xi32>
    %mul3A_1439 = arith.muli %get3A_1436, %mul3A_1438 : vector<16xi32>
    %add3A_1440 = arith.constant 2 : i32
    %add3A_1441 = vector.broadcast %add3A_1440 : i32 to vector<16xi32>
    %add3A_1442 = arith.addi %mul3A_1439, %add3A_1441 : vector<16xi32>
    %dma_wait3A_1443 = arith.constant 1 : i32
    %dma_wait3A_1444 = arith.constant 1 : i32
    %dma_wait3A_1445 = arith.constant 0 : i32
    %dma_wait3A_1446 = arith.constant 0 : i32
    %dma_wait3A_1447 = tpu.memref_slice %arg6[%dma_wait3A_1443, %dma_wait3A_1445, %dma_wait3A_1446] : memref<2x16x2000xf32, #tpu.memory_space<vmem>> -> memref<1x16x2000xf32, #tpu.memory_space<vmem>>
    %dma_wait3A_1448 = tpu.memref_squeeze %dma_wait3A_1447 : memref<1x16x2000xf32, #tpu.memory_space<vmem>> -> memref<16x2000xf32, #tpu.memory_space<vmem>>
    %dma_wait3A_1449 = arith.constant 0 : i32
    %dma_wait3A_1450 = arith.constant 0 : i32
    %dma_wait3A_1451 = tpu.memref_slice %arg2[%dma_wait3A_1449, %dma_wait3A_1450] : memref<50000x2000xf32, #tpu.memory_space<hbm>> -> memref<50000x2000xf32, #tpu.memory_space<hbm>>
    %dma_wait3A_1452 = tpu.memref_slice %arg7[%dma_wait3A_1444] : memref<2x!tpu.dma_semaphore, #tpu.memory_space<semaphore_mem>> -> memref<1x!tpu.dma_semaphore, #tpu.memory_space<semaphore_mem>>
    %dma_wait3A_1453 = tpu.memref_squeeze %dma_wait3A_1452 : memref<1x!tpu.dma_semaphore, #tpu.memory_space<semaphore_mem>> -> memref<!tpu.dma_semaphore, #tpu.memory_space<semaphore_mem>>
    tpu.wait_indirect_dma semaphore(%dma_wait3A_1453 : memref<!tpu.dma_semaphore, #tpu.memory_space<semaphore_mem>>) src(%dma_wait3A_1451 : memref<50000x2000xf32, #tpu.memory_space<hbm>>) dst(%dma_wait3A_1448 : memref<16x2000xf32, #tpu.memory_space<vmem>>)
    %add3A_1454 = arith.constant 48 : i32
    %add3A_1455 = arith.addi %mul3A_2, %add3A_1454 : i32
    %add3A_1456 = vector.broadcast %add3A_1455 : i32 to vector<16xi32>
    %add3A_1457 = arith.addi %add3A_1456, %iota3A : vector<16xi32>
    %mul3A_1458 = arith.constant 5 : i32
    %mul3A_1459 = vector.broadcast %mul3A_1458 : i32 to vector<16xi32>
    %mul3A_1460 = arith.muli %add3A_1457, %mul3A_1459 : vector<16xi32>
    %add3A_1461 = arith.constant 2 : i32
    %add3A_1462 = vector.broadcast %add3A_1461 : i32 to vector<16xi32>
    %add3A_1463 = arith.addi %mul3A_1460, %add3A_1462 : vector<16xi32>
    %dma_start3A_1464 = arith.constant 1 : i32
    %dma_start3A_1465 = arith.constant 1 : i32
    %dma_start3A_1466 = arith.constant 0 : i32
    %dma_start3A_1467 = arith.constant 0 : i32
    %dma_start3A_1468 = tpu.memref_slice %arg6[%dma_start3A_1464, %dma_start3A_1466, %dma_start3A_1467] : memref<2x16x2000xf32, #tpu.memory_space<vmem>> -> memref<1x16x2000xf32, #tpu.memory_space<vmem>>
    %dma_start3A_1469 = tpu.memref_squeeze %dma_start3A_1468 : memref<1x16x2000xf32, #tpu.memory_space<vmem>> -> memref<16x2000xf32, #tpu.memory_space<vmem>>
    %dma_start3A_1470 = arith.constant 0 : i32
    %dma_start3A_1471 = arith.constant 0 : i32
    %dma_start3A_1472 = tpu.memref_slice %arg4[%dma_start3A_1470, %dma_start3A_1471] : memref<10240x2000xf32, #tpu.memory_space<hbm>> -> memref<10240x2000xf32, #tpu.memory_space<hbm>>
    %dma_start3A_1473 = tpu.memref_slice %arg8[%dma_start3A_1465] : memref<2x!tpu.dma_semaphore, #tpu.memory_space<semaphore_mem>> -> memref<1x!tpu.dma_semaphore, #tpu.memory_space<semaphore_mem>>
    %dma_start3A_1474 = tpu.memref_squeeze %dma_start3A_1473 : memref<1x!tpu.dma_semaphore, #tpu.memory_space<semaphore_mem>> -> memref<!tpu.dma_semaphore, #tpu.memory_space<semaphore_mem>>
    tpu.enqueue_indirect_dma source(%dma_start3A_1469 : memref<16x2000xf32, #tpu.memory_space<vmem>>) target(%dma_start3A_1472 : memref<10240x2000xf32, #tpu.memory_space<hbm>>) offsets(%add3A_1463 : vector<16xi32>) semaphore(%dma_start3A_1474 : memref<!tpu.dma_semaphore, #tpu.memory_space<semaphore_mem>>)
    %add3A_1475 = arith.constant 48 : i32
    %add3A_1476 = arith.addi %mul3A_2, %add3A_1475 : i32
    %add3A_1477 = vector.broadcast %add3A_1476 : i32 to vector<16xi32>
    %add3A_1478 = arith.addi %add3A_1477, %iota3A : vector<16xi32>
    %mul3A_1479 = arith.constant 5 : i32
    %mul3A_1480 = vector.broadcast %mul3A_1479 : i32 to vector<16xi32>
    %mul3A_1481 = arith.muli %add3A_1478, %mul3A_1480 : vector<16xi32>
    %add3A_1482 = arith.constant 2 : i32
    %add3A_1483 = vector.broadcast %add3A_1482 : i32 to vector<16xi32>
    %add3A_1484 = arith.addi %mul3A_1481, %add3A_1483 : vector<16xi32>
    %dma_wait3A_1485 = arith.constant 1 : i32
    %dma_wait3A_1486 = arith.constant 1 : i32
    %dma_wait3A_1487 = arith.constant 0 : i32
    %dma_wait3A_1488 = arith.constant 0 : i32
    %dma_wait3A_1489 = tpu.memref_slice %arg6[%dma_wait3A_1485, %dma_wait3A_1487, %dma_wait3A_1488] : memref<2x16x2000xf32, #tpu.memory_space<vmem>> -> memref<1x16x2000xf32, #tpu.memory_space<vmem>>
    %dma_wait3A_1490 = tpu.memref_squeeze %dma_wait3A_1489 : memref<1x16x2000xf32, #tpu.memory_space<vmem>> -> memref<16x2000xf32, #tpu.memory_space<vmem>>
    %dma_wait3A_1491 = arith.constant 0 : i32
    %dma_wait3A_1492 = arith.constant 0 : i32
    %dma_wait3A_1493 = tpu.memref_slice %arg4[%dma_wait3A_1491, %dma_wait3A_1492] : memref<10240x2000xf32, #tpu.memory_space<hbm>> -> memref<10240x2000xf32, #tpu.memory_space<hbm>>
    %dma_wait3A_1494 = tpu.memref_slice %arg8[%dma_wait3A_1486] : memref<2x!tpu.dma_semaphore, #tpu.memory_space<semaphore_mem>> -> memref<1x!tpu.dma_semaphore, #tpu.memory_space<semaphore_mem>>
    %dma_wait3A_1495 = tpu.memref_squeeze %dma_wait3A_1494 : memref<1x!tpu.dma_semaphore, #tpu.memory_space<semaphore_mem>> -> memref<!tpu.dma_semaphore, #tpu.memory_space<semaphore_mem>>
    tpu.wait_indirect_dma semaphore(%dma_wait3A_1495 : memref<!tpu.dma_semaphore, #tpu.memory_space<semaphore_mem>>) src(%dma_wait3A_1490 : memref<16x2000xf32, #tpu.memory_space<vmem>>) dst(%dma_wait3A_1493 : memref<10240x2000xf32, #tpu.memory_space<hbm>>)
    %get3A_1496 = arith.constant 48 : index
    %get3A_1497 = tpu.vector_load %arg5[%get3A_1496] {strides = array<i32>} : memref<64xi32, #tpu.memory_space<vmem>>, vector<16xi32>,
    %get3A_1498 = vector.shape_cast %get3A_1497 : vector<16xi32> to vector<16xi32>
    %mul3A_1499 = arith.constant 5 : i32
    %mul3A_1500 = vector.broadcast %mul3A_1499 : i32 to vector<16xi32>
    %mul3A_1501 = arith.muli %get3A_1498, %mul3A_1500 : vector<16xi32>
    %add3A_1502 = arith.constant 4 : i32
    %add3A_1503 = vector.broadcast %add3A_1502 : i32 to vector<16xi32>
    %add3A_1504 = arith.addi %mul3A_1501, %add3A_1503 : vector<16xi32>
    %dma_start3A_1505 = arith.constant 1 : i32
    %dma_start3A_1506 = arith.constant 1 : i32
    %dma_start3A_1507 = arith.constant 0 : i32
    %dma_start3A_1508 = arith.constant 0 : i32
    %dma_start3A_1509 = tpu.memref_slice %arg6[%dma_start3A_1505, %dma_start3A_1507, %dma_start3A_1508] : memref<2x16x2000xf32, #tpu.memory_space<vmem>> -> memref<1x16x2000xf32, #tpu.memory_space<vmem>>
    %dma_start3A_1510 = tpu.memref_squeeze %dma_start3A_1509 : memref<1x16x2000xf32, #tpu.memory_space<vmem>> -> memref<16x2000xf32, #tpu.memory_space<vmem>>
    %dma_start3A_1511 = arith.constant 0 : i32
    %dma_start3A_1512 = arith.constant 0 : i32
    %dma_start3A_1513 = tpu.memref_slice %arg2[%dma_start3A_1511, %dma_start3A_1512] : memref<50000x2000xf32, #tpu.memory_space<hbm>> -> memref<50000x2000xf32, #tpu.memory_space<hbm>>
    %dma_start3A_1514 = tpu.memref_slice %arg7[%dma_start3A_1506] : memref<2x!tpu.dma_semaphore, #tpu.memory_space<semaphore_mem>> -> memref<1x!tpu.dma_semaphore, #tpu.memory_space<semaphore_mem>>
    %dma_start3A_1515 = tpu.memref_squeeze %dma_start3A_1514 : memref<1x!tpu.dma_semaphore, #tpu.memory_space<semaphore_mem>> -> memref<!tpu.dma_semaphore, #tpu.memory_space<semaphore_mem>>
    tpu.enqueue_indirect_dma source(%dma_start3A_1513 : memref<50000x2000xf32, #tpu.memory_space<hbm>>) target(%dma_start3A_1510 : memref<16x2000xf32, #tpu.memory_space<vmem>>) offsets(%add3A_1504 : vector<16xi32>) semaphore(%dma_start3A_1515 : memref<!tpu.dma_semaphore, #tpu.memory_space<semaphore_mem>>)
    %get3A_1516 = arith.constant 48 : index
    %get3A_1517 = tpu.vector_load %arg5[%get3A_1516] {strides = array<i32>} : memref<64xi32, #tpu.memory_space<vmem>>, vector<16xi32>,
    %get3A_1518 = vector.shape_cast %get3A_1517 : vector<16xi32> to vector<16xi32>
    %mul3A_1519 = arith.constant 5 : i32
    %mul3A_1520 = vector.broadcast %mul3A_1519 : i32 to vector<16xi32>
    %mul3A_1521 = arith.muli %get3A_1518, %mul3A_1520 : vector<16xi32>
    %add3A_1522 = arith.constant 3 : i32
    %add3A_1523 = vector.broadcast %add3A_1522 : i32 to vector<16xi32>
    %add3A_1524 = arith.addi %mul3A_1521, %add3A_1523 : vector<16xi32>
    %dma_wait3A_1525 = arith.constant 0 : i32
    %dma_wait3A_1526 = arith.constant 0 : i32
    %dma_wait3A_1527 = arith.constant 0 : i32
    %dma_wait3A_1528 = arith.constant 0 : i32
    %dma_wait3A_1529 = tpu.memref_slice %arg6[%dma_wait3A_1525, %dma_wait3A_1527, %dma_wait3A_1528] : memref<2x16x2000xf32, #tpu.memory_space<vmem>> -> memref<1x16x2000xf32, #tpu.memory_space<vmem>>
    %dma_wait3A_1530 = tpu.memref_squeeze %dma_wait3A_1529 : memref<1x16x2000xf32, #tpu.memory_space<vmem>> -> memref<16x2000xf32, #tpu.memory_space<vmem>>
    %dma_wait3A_1531 = arith.constant 0 : i32
    %dma_wait3A_1532 = arith.constant 0 : i32
    %dma_wait3A_1533 = tpu.memref_slice %arg2[%dma_wait3A_1531, %dma_wait3A_1532] : memref<50000x2000xf32, #tpu.memory_space<hbm>> -> memref<50000x2000xf32, #tpu.memory_space<hbm>>
    %dma_wait3A_1534 = tpu.memref_slice %arg7[%dma_wait3A_1526] : memref<2x!tpu.dma_semaphore, #tpu.memory_space<semaphore_mem>> -> memref<1x!tpu.dma_semaphore, #tpu.memory_space<semaphore_mem>>
    %dma_wait3A_1535 = tpu.memref_squeeze %dma_wait3A_1534 : memref<1x!tpu.dma_semaphore, #tpu.memory_space<semaphore_mem>> -> memref<!tpu.dma_semaphore, #tpu.memory_space<semaphore_mem>>
    tpu.wait_indirect_dma semaphore(%dma_wait3A_1535 : memref<!tpu.dma_semaphore, #tpu.memory_space<semaphore_mem>>) src(%dma_wait3A_1533 : memref<50000x2000xf32, #tpu.memory_space<hbm>>) dst(%dma_wait3A_1530 : memref<16x2000xf32, #tpu.memory_space<vmem>>)
    %add3A_1536 = arith.constant 48 : i32
    %add3A_1537 = arith.addi %mul3A_2, %add3A_1536 : i32
    %add3A_1538 = vector.broadcast %add3A_1537 : i32 to vector<16xi32>
    %add3A_1539 = arith.addi %add3A_1538, %iota3A : vector<16xi32>
    %mul3A_1540 = arith.constant 5 : i32
    %mul3A_1541 = vector.broadcast %mul3A_1540 : i32 to vector<16xi32>
    %mul3A_1542 = arith.muli %add3A_1539, %mul3A_1541 : vector<16xi32>
    %add3A_1543 = arith.constant 3 : i32
    %add3A_1544 = vector.broadcast %add3A_1543 : i32 to vector<16xi32>
    %add3A_1545 = arith.addi %mul3A_1542, %add3A_1544 : vector<16xi32>
    %dma_start3A_1546 = arith.constant 0 : i32
    %dma_start3A_1547 = arith.constant 0 : i32
    %dma_start3A_1548 = arith.constant 0 : i32
    %dma_start3A_1549 = arith.constant 0 : i32
    %dma_start3A_1550 = tpu.memref_slice %arg6[%dma_start3A_1546, %dma_start3A_1548, %dma_start3A_1549] : memref<2x16x2000xf32, #tpu.memory_space<vmem>> -> memref<1x16x2000xf32, #tpu.memory_space<vmem>>
    %dma_start3A_1551 = tpu.memref_squeeze %dma_start3A_1550 : memref<1x16x2000xf32, #tpu.memory_space<vmem>> -> memref<16x2000xf32, #tpu.memory_space<vmem>>
    %dma_start3A_1552 = arith.constant 0 : i32
    %dma_start3A_1553 = arith.constant 0 : i32
    %dma_start3A_1554 = tpu.memref_slice %arg4[%dma_start3A_1552, %dma_start3A_1553] : memref<10240x2000xf32, #tpu.memory_space<hbm>> -> memref<10240x2000xf32, #tpu.memory_space<hbm>>
    %dma_start3A_1555 = tpu.memref_slice %arg8[%dma_start3A_1547] : memref<2x!tpu.dma_semaphore, #tpu.memory_space<semaphore_mem>> -> memref<1x!tpu.dma_semaphore, #tpu.memory_space<semaphore_mem>>
    %dma_start3A_1556 = tpu.memref_squeeze %dma_start3A_1555 : memref<1x!tpu.dma_semaphore, #tpu.memory_space<semaphore_mem>> -> memref<!tpu.dma_semaphore, #tpu.memory_space<semaphore_mem>>
    tpu.enqueue_indirect_dma source(%dma_start3A_1551 : memref<16x2000xf32, #tpu.memory_space<vmem>>) target(%dma_start3A_1554 : memref<10240x2000xf32, #tpu.memory_space<hbm>>) offsets(%add3A_1545 : vector<16xi32>) semaphore(%dma_start3A_1556 : memref<!tpu.dma_semaphore, #tpu.memory_space<semaphore_mem>>)
    %get3A_1557 = arith.constant 48 : index
    %get3A_1558 = tpu.vector_load %arg5[%get3A_1557] {strides = array<i32>} : memref<64xi32, #tpu.memory_space<vmem>>, vector<16xi32>,
    %get3A_1559 = vector.shape_cast %get3A_1558 : vector<16xi32> to vector<16xi32>
    %mul3A_1560 = arith.constant 5 : i32
    %mul3A_1561 = vector.broadcast %mul3A_1560 : i32 to vector<16xi32>
    %mul3A_1562 = arith.muli %get3A_1559, %mul3A_1561 : vector<16xi32>
    %add3A_1563 = arith.constant 4 : i32
    %add3A_1564 = vector.broadcast %add3A_1563 : i32 to vector<16xi32>
    %add3A_1565 = arith.addi %mul3A_1562, %add3A_1564 : vector<16xi32>
    %dma_wait3A_1566 = arith.constant 1 : i32
    %dma_wait3A_1567 = arith.constant 1 : i32
    %dma_wait3A_1568 = arith.constant 0 : i32
    %dma_wait3A_1569 = arith.constant 0 : i32
    %dma_wait3A_1570 = tpu.memref_slice %arg6[%dma_wait3A_1566, %dma_wait3A_1568, %dma_wait3A_1569] : memref<2x16x2000xf32, #tpu.memory_space<vmem>> -> memref<1x16x2000xf32, #tpu.memory_space<vmem>>
    %dma_wait3A_1571 = tpu.memref_squeeze %dma_wait3A_1570 : memref<1x16x2000xf32, #tpu.memory_space<vmem>> -> memref<16x2000xf32, #tpu.memory_space<vmem>>
    %dma_wait3A_1572 = arith.constant 0 : i32
    %dma_wait3A_1573 = arith.constant 0 : i32
    %dma_wait3A_1574 = tpu.memref_slice %arg2[%dma_wait3A_1572, %dma_wait3A_1573] : memref<50000x2000xf32, #tpu.memory_space<hbm>> -> memref<50000x2000xf32, #tpu.memory_space<hbm>>
    %dma_wait3A_1575 = tpu.memref_slice %arg7[%dma_wait3A_1567] : memref<2x!tpu.dma_semaphore, #tpu.memory_space<semaphore_mem>> -> memref<1x!tpu.dma_semaphore, #tpu.memory_space<semaphore_mem>>
    %dma_wait3A_1576 = tpu.memref_squeeze %dma_wait3A_1575 : memref<1x!tpu.dma_semaphore, #tpu.memory_space<semaphore_mem>> -> memref<!tpu.dma_semaphore, #tpu.memory_space<semaphore_mem>>
    tpu.wait_indirect_dma semaphore(%dma_wait3A_1576 : memref<!tpu.dma_semaphore, #tpu.memory_space<semaphore_mem>>) src(%dma_wait3A_1574 : memref<50000x2000xf32, #tpu.memory_space<hbm>>) dst(%dma_wait3A_1571 : memref<16x2000xf32, #tpu.memory_space<vmem>>)
    %add3A_1577 = arith.constant 48 : i32
    %add3A_1578 = arith.addi %mul3A_2, %add3A_1577 : i32
    %add3A_1579 = vector.broadcast %add3A_1578 : i32 to vector<16xi32>
    %add3A_1580 = arith.addi %add3A_1579, %iota3A : vector<16xi32>
    %mul3A_1581 = arith.constant 5 : i32
    %mul3A_1582 = vector.broadcast %mul3A_1581 : i32 to vector<16xi32>
    %mul3A_1583 = arith.muli %add3A_1580, %mul3A_1582 : vector<16xi32>
    %add3A_1584 = arith.constant 4 : i32
    %add3A_1585 = vector.broadcast %add3A_1584 : i32 to vector<16xi32>
    %add3A_1586 = arith.addi %mul3A_1583, %add3A_1585 : vector<16xi32>
    %dma_start3A_1587 = arith.constant 1 : i32
    %dma_start3A_1588 = arith.constant 1 : i32
    %dma_start3A_1589 = arith.constant 0 : i32
    %dma_start3A_1590 = arith.constant 0 : i32
    %dma_start3A_1591 = tpu.memref_slice %arg6[%dma_start3A_1587, %dma_start3A_1589, %dma_start3A_1590] : memref<2x16x2000xf32, #tpu.memory_space<vmem>> -> memref<1x16x2000xf32, #tpu.memory_space<vmem>>
    %dma_start3A_1592 = tpu.memref_squeeze %dma_start3A_1591 : memref<1x16x2000xf32, #tpu.memory_space<vmem>> -> memref<16x2000xf32, #tpu.memory_space<vmem>>
    %dma_start3A_1593 = arith.constant 0 : i32
    %dma_start3A_1594 = arith.constant 0 : i32
    %dma_start3A_1595 = tpu.memref_slice %arg4[%dma_start3A_1593, %dma_start3A_1594] : memref<10240x2000xf32, #tpu.memory_space<hbm>> -> memref<10240x2000xf32, #tpu.memory_space<hbm>>
    %dma_start3A_1596 = tpu.memref_slice %arg8[%dma_start3A_1588] : memref<2x!tpu.dma_semaphore, #tpu.memory_space<semaphore_mem>> -> memref<1x!tpu.dma_semaphore, #tpu.memory_space<semaphore_mem>>
    %dma_start3A_1597 = tpu.memref_squeeze %dma_start3A_1596 : memref<1x!tpu.dma_semaphore, #tpu.memory_space<semaphore_mem>> -> memref<!tpu.dma_semaphore, #tpu.memory_space<semaphore_mem>>
    tpu.enqueue_indirect_dma source(%dma_start3A_1592 : memref<16x2000xf32, #tpu.memory_space<vmem>>) target(%dma_start3A_1595 : memref<10240x2000xf32, #tpu.memory_space<hbm>>) offsets(%add3A_1586 : vector<16xi32>) semaphore(%dma_start3A_1597 : memref<!tpu.dma_semaphore, #tpu.memory_space<semaphore_mem>>)
    %add3A_1598 = arith.constant 48 : i32
    %add3A_1599 = arith.addi %mul3A_2, %add3A_1598 : i32
    %add3A_1600 = vector.broadcast %add3A_1599 : i32 to vector<16xi32>
    %add3A_1601 = arith.addi %add3A_1600, %iota3A : vector<16xi32>
    %mul3A_1602 = arith.constant 5 : i32
    %mul3A_1603 = vector.broadcast %mul3A_1602 : i32 to vector<16xi32>
    %mul3A_1604 = arith.muli %add3A_1601, %mul3A_1603 : vector<16xi32>
    %add3A_1605 = arith.constant 3 : i32
    %add3A_1606 = vector.broadcast %add3A_1605 : i32 to vector<16xi32>
    %add3A_1607 = arith.addi %mul3A_1604, %add3A_1606 : vector<16xi32>
    %dma_wait3A_1608 = arith.constant 0 : i32
    %dma_wait3A_1609 = arith.constant 0 : i32
    %dma_wait3A_1610 = arith.constant 0 : i32
    %dma_wait3A_1611 = arith.constant 0 : i32
    %dma_wait3A_1612 = tpu.memref_slice %arg6[%dma_wait3A_1608, %dma_wait3A_1610, %dma_wait3A_1611] : memref<2x16x2000xf32, #tpu.memory_space<vmem>> -> memref<1x16x2000xf32, #tpu.memory_space<vmem>>
    %dma_wait3A_1613 = tpu.memref_squeeze %dma_wait3A_1612 : memref<1x16x2000xf32, #tpu.memory_space<vmem>> -> memref<16x2000xf32, #tpu.memory_space<vmem>>
    %dma_wait3A_1614 = arith.constant 0 : i32
    %dma_wait3A_1615 = arith.constant 0 : i32
    %dma_wait3A_1616 = tpu.memref_slice %arg4[%dma_wait3A_1614, %dma_wait3A_1615] : memref<10240x2000xf32, #tpu.memory_space<hbm>> -> memref<10240x2000xf32, #tpu.memory_space<hbm>>
    %dma_wait3A_1617 = tpu.memref_slice %arg8[%dma_wait3A_1609] : memref<2x!tpu.dma_semaphore, #tpu.memory_space<semaphore_mem>> -> memref<1x!tpu.dma_semaphore, #tpu.memory_space<semaphore_mem>>
    %dma_wait3A_1618 = tpu.memref_squeeze %dma_wait3A_1617 : memref<1x!tpu.dma_semaphore, #tpu.memory_space<semaphore_mem>> -> memref<!tpu.dma_semaphore, #tpu.memory_space<semaphore_mem>>
    tpu.wait_indirect_dma semaphore(%dma_wait3A_1618 : memref<!tpu.dma_semaphore, #tpu.memory_space<semaphore_mem>>) src(%dma_wait3A_1613 : memref<16x2000xf32, #tpu.memory_space<vmem>>) dst(%dma_wait3A_1616 : memref<10240x2000xf32, #tpu.memory_space<hbm>>)
    %add3A_1619 = arith.constant 48 : i32
    %add3A_1620 = arith.addi %mul3A_2, %add3A_1619 : i32
    %add3A_1621 = vector.broadcast %add3A_1620 : i32 to vector<16xi32>
    %add3A_1622 = arith.addi %add3A_1621, %iota3A : vector<16xi32>
    %mul3A_1623 = arith.constant 5 : i32
    %mul3A_1624 = vector.broadcast %mul3A_1623 : i32 to vector<16xi32>
    %mul3A_1625 = arith.muli %add3A_1622, %mul3A_1624 : vector<16xi32>
    %add3A_1626 = arith.constant 4 : i32
    %add3A_1627 = vector.broadcast %add3A_1626 : i32 to vector<16xi32>
    %add3A_1628 = arith.addi %mul3A_1625, %add3A_1627 : vector<16xi32>
    %dma_wait3A_1629 = arith.constant 1 : i32
    %dma_wait3A_1630 = arith.constant 1 : i32
    %dma_wait3A_1631 = arith.constant 0 : i32
    %dma_wait3A_1632 = arith.constant 0 : i32
    %dma_wait3A_1633 = tpu.memref_slice %arg6[%dma_wait3A_1629, %dma_wait3A_1631, %dma_wait3A_1632] : memref<2x16x2000xf32, #tpu.memory_space<vmem>> -> memref<1x16x2000xf32, #tpu.memory_space<vmem>>
    %dma_wait3A_1634 = tpu.memref_squeeze %dma_wait3A_1633 : memref<1x16x2000xf32, #tpu.memory_space<vmem>> -> memref<16x2000xf32, #tpu.memory_space<vmem>>
    %dma_wait3A_1635 = arith.constant 0 : i32
    %dma_wait3A_1636 = arith.constant 0 : i32
    %dma_wait3A_1637 = tpu.memref_slice %arg4[%dma_wait3A_1635, %dma_wait3A_1636] : memref<10240x2000xf32, #tpu.memory_space<hbm>> -> memref<10240x2000xf32, #tpu.memory_space<hbm>>
    %dma_wait3A_1638 = tpu.memref_slice %arg8[%dma_wait3A_1630] : memref<2x!tpu.dma_semaphore, #tpu.memory_space<semaphore_mem>> -> memref<1x!tpu.dma_semaphore, #tpu.memory_space<semaphore_mem>>
    %dma_wait3A_1639 = tpu.memref_squeeze %dma_wait3A_1638 : memref<1x!tpu.dma_semaphore, #tpu.memory_space<semaphore_mem>> -> memref<!tpu.dma_semaphore, #tpu.memory_space<semaphore_mem>>
    tpu.wait_indirect_dma semaphore(%dma_wait3A_1639 : memref<!tpu.dma_semaphore, #tpu.memory_space<semaphore_mem>>) src(%dma_wait3A_1634 : memref<16x2000xf32, #tpu.memory_space<vmem>>) dst(%dma_wait3A_1637 : memref<10240x2000xf32, #tpu.memory_space<hbm>>)
    return
  }
}

</mosaic_0001>

<sc_bundles>
// kernel: kernel.3.cloned.1.call-start
scs
__scs_entry_jumppad:
0x0: {  	(pc) =	sbr.rel $0x88, $3  }
0x1: {  	(tag) =	ssettag $0x0;
	lr =	simm.s32 $0x1  }
0x2: {  	[smem:$0x3F9F] =	sst lr;
	_ =	strace $0xD0000000  }
0x3: {  	_ = 	snop  }
0x4: {  	_ = 	snop  }
0x5: {  	_ = 	snop  }
0x6: {  	_ = 	snop  }
0x7: {  	_ = 	snop  }
__scs_overlays_trampoline_lowered:
0x8: {  	[smem:$0x3FAE] =	sst s0  }
0x9: {  	[smem:$0x3FAF] =	sst s1  }
0xa: {  	[smem:$0x3FB0] =	sst s2  }
0xb: {  	[smem:$0x3FB1] =	sst s3  }
0xc: {  	[smem:$0x3FB2] =	sst s4  }
0xd: {  	[smem:$0x3FB3] =	sst s5  }
0xe: {  	[smem:$0x3FB4] =	sst s6  }
0xf: {  	[smem:$0x3FB5] =	sst s7  }
0x10: {  	[smem:$0x3FB6] =	sst s8  }
0x11: {  	[smem:$0x3FB7] =	sst s9;
	s0 =	simm.s32 @!p0 $0x0  }
0x12: {  	s1 =	sld [smem:$0x3F9D];
	s0 =	simm.s32 @p0 $0x1  }
0x13: {  	[smem:$0x3FB8] =	sst s0;
	s0 =	simm.s32 @!p1 $0x0  }
0x14: {  	s2 =	sld [smem:$0x3F9C];
	s0 =	simm.s32 @p1 $0x1  }
0x15: {  	[smem:$0x3FB9] =	sst s0;
	s0 =	simm.s32 @!p2 $0x0  }
0x16: {  	s3 =	sld [smem:$0x3FDB];
	s0 =	simm.s32 @p2 $0x1  }
0x17: {  	s4 =	simm.s32 $0x1BF5;
	[smem:$0x3FBB] =	sst s0  }
0x18: {  	s0 =	sld [smem:$0x3F9E];
	_ =	swait.ge [sflag:s4], $0x0  }
0x19: {  	s7 =	sld [smem:$0x3F9F]  }
0x1a: {  	s8 =	sadd.s32 $0xFFFFE003, lr  }
0x1b: {  	s9 =	sadd.s32 $0xFFFFFEF7, lr;
	s5 =	simm.s32 $0xFFFFFFFF;
	p2 =	slt.u32 s8, $0xFFFFF086  }
0x1c: {  	p1 =	slt.u32 s9, $0xF7A;
	s5 =	simm.s32 @!p2 $0x0  }
0x1d: {  	s5 =	simm.s32 @p1 $0x1;
	p0 =	seq.s32 s7, s2  }
0x1e: {  	s7 =	smul.u32 @!p0 $0xF7A, s2;
	p2 =	seq.s32 @!p0 s5, $0x0  }
0x1f: {  	s9 =	smul.u32 $0xF7A, s1;
	s8 =	simm.s32 @!p0 $0x1BF5;
	p2 =	por !p2, p0  }
0x20: {  	[sflag:s8] =	ssyncset.s32 @!p0 $0xFFFFF086;
	s6 =	sadd.s32 @!p0 s3, s7;
	s7 =	simm.s32 @!p0 $0x108  }
0x21: {  	s3 =	sadd.s32 s3, s9;
	s6 =	sadd.s32 @!p0 $0x88, s6;
	s7 =	simm.s32 @p2 $0x1082  }
0x22: {  	[simem:s7], [sflag:s8] =	dma.local @!p0 [hbm:s6], $0xF7A  }
0x23: {  	s9 =	sor.u32 $0xD0000000, s2;
	s6 =	simm.s32 $0x108;
	_ =	swait.ge @!p0 [sflag:s8], $0x0  }
0x24: {  	s3 =	sadd.s32 $0x88, s3;
	s6 =	simm.s32 @!p1 $0x1082;
	[sflag:s4] =	ssyncset.s32 $0xFFFFF086  }
0x25: {  	[simem:s6], [sflag:s4] =	dma.local [hbm:s3], $0xF7A  }
0x26: {  	[smem:$0x3F9F] =	sst s1;
	(tag) =	ssettag s2;
	_ =	strace s9  }
0x27: {  	s1 =	sld [smem:$0x3FAF]  }
0x28: {  	s2 =	sld [smem:$0x3FB0]  }
0x29: {  	s4 =	sld [smem:$0x3FB2]  }
0x2a: {  	p0 =	seq.s32 s5, $0x0;
	s5 =	sld [smem:$0x3FB3]  }
0x2b: {  	s6 =	sld [smem:$0x3FB4]  }
0x2c: {  	s7 =	sld [smem:$0x3FB5]  }
0x2d: {  	s3 =	simm.s32 $0x108;
	s8 =	sld [smem:$0x3FB6]  }
0x2e: {  	s3 =	simm.s32 @!p0 $0x1082;
	s9 =	sld [smem:$0x3FB7]  }
0x2f: {  	lr =	sadd.s32 s0, s3;
	s0 =	sld [smem:$0x3FAE]  }
0x30: {  	s3 =	sld [smem:$0x3FB1]  }
0x31: {  	[smem:$0x3FBA] =	sst s10  }
0x32: {  	s10 =	sld [smem:$0x3FB8];
	_ =	sdelay $0x3  }
0x33: {  	p0 =	seq.s32 s10, $0x1;
	s10 =	sld [smem:$0x3FBA];
	_ =	sdelay $0x3  }
0x34: {  	[smem:$0x3FBA] =	sst s10  }
0x35: {  	s10 =	sld [smem:$0x3FB9];
	_ =	sdelay $0x3  }
0x36: {  	p1 =	seq.s32 s10, $0x1;
	s10 =	sld [smem:$0x3FBA];
	_ =	sdelay $0x3  }
0x37: {  	[smem:$0x3FBA] =	sst s10  }
0x38: {  	s10 =	sld [smem:$0x3FBB]  }
0x39: {  	_ = 	snop;
	(pc) =	sbr.ind lr, $3  }
0x3a: {  	_ = 	snop  }
0x3b: {  	_ = 	snop  }
0x3c: {  	p2 =	seq.s32 s10, $0x1;
	s10 =	sld [smem:$0x3FBA]  }
0x3d: {  	_ =	shalt  }
0x3e: {  	_ =	shalt  }
0x3f: {  	_ =	shalt  }
0x40: {  	_ =	shalt  }
0x41: {  	_ =	shalt  }
0x42: {  	_ =	shalt  }
0x43: {  	_ =	shalt  }
0x44: {  	_ =	shalt  }
0x45: {  	_ =	shalt  }
0x46: {  	_ =	shalt  }
0x47: {  	_ =	shalt  }
0x48: {  	_ =	shalt  }
0x49: {  	_ =	shalt  }
0x4a: {  	_ =	shalt  }
0x4b: {  	_ =	shalt  }
0x4c: {  	_ =	shalt  }
0x4d: {  	_ =	shalt  }
0x4e: {  	_ =	shalt  }
0x4f: {  	_ =	shalt  }
0x50: {  	_ =	shalt  }
0x51: {  	_ =	shalt  }
0x52: {  	_ =	shalt  }
0x53: {  	_ =	shalt  }
0x54: {  	_ =	shalt  }
0x55: {  	_ =	shalt  }
0x56: {  	_ =	shalt  }
0x57: {  	_ =	shalt  }
0x58: {  	_ =	shalt  }
0x59: {  	_ =	shalt  }
0x5a: {  	_ =	shalt  }
0x5b: {  	_ =	shalt  }
0x5c: {  	_ =	shalt  }
0x5d: {  	_ =	shalt  }
0x5e: {  	_ =	shalt  }
0x5f: {  	_ =	shalt  }
0x60: {  	_ =	shalt  }
0x61: {  	_ =	shalt  }
0x62: {  	_ =	shalt  }
0x63: {  	_ =	shalt  }
0x64: {  	_ =	shalt  }
0x65: {  	_ =	shalt  }
0x66: {  	_ =	shalt  }
0x67: {  	_ =	shalt  }
0x68: {  	_ =	shalt  }
0x69: {  	_ =	shalt  }
0x6a: {  	_ =	shalt  }
0x6b: {  	_ =	shalt  }
0x6c: {  	_ =	shalt  }
0x6d: {  	_ =	shalt  }
0x6e: {  	_ =	shalt  }
0x6f: {  	_ =	shalt  }
0x70: {  	_ =	shalt  }
0x71: {  	_ =	shalt  }
0x72: {  	_ =	shalt  }
0x73: {  	_ =	shalt  }
0x74: {  	_ =	shalt  }
0x75: {  	_ =	shalt  }
0x76: {  	_ =	shalt  }
0x77: {  	_ =	shalt  }
0x78: {  	_ =	shalt  }
0x79: {  	_ =	shalt  }
0x7a: {  	_ =	shalt  }
0x7b: {  	_ =	shalt  }
0x7c: {  	_ =	shalt  }
0x7d: {  	_ =	shalt  }
0x7e: {  	_ =	shalt  }
0x7f: {  	_ =	shalt  }
0x80: {  	_ =	shalt  }
0x81: {  	_ =	shalt  }
0x82: {  	_ =	shalt  }
0x83: {  	_ =	shalt  }
0x84: {  	_ =	shalt  }
0x85: {  	_ =	shalt  }
0x86: {  	_ =	shalt  }
0x87: {  	_ =	shalt  }
.Lfunc_end0:
.L_simem_size_0:
called_computation_lowered:
.L_overlay_start_0:
0x88: {  	s2 =	sld [smem:$0x3FD9]  }
0x89: {  	s3 =	sld [smem:$0x3FFE];
	_ =	sdelay $0x1  }
0x8a: {  	s1 =	srdreg.scid  }
0x8b: {  	s0 =	sand.u32 $0x1, s1  }
0x8c: {  	s17 =	sshll.u32 s0, $0xA;
	s2 =	sadd.s32 s3, s2  }
0x8d: {  	s2 =	sadd.s32 s2, s17  }
0x8e: {  	[smem:$0x3FC6] =	sst s2  }
0x8f: {  	_ = 	snop  }
0x90: {  	s2 =	sld [smem:$0x3FC8];
	(tm) =	ssettm $0x1  }
0x91: {  	s18 =	sld [smem:$0x3FFB];
	_ =	sdelay $0x3  }
0x92: {  	_ =	strace s18  }
0x93: {  	s3 =	sld [smem:$0x3FFC];
	_ =	sdelay $0x3  }
0x94: {  	_ =	strace s3  }
0x95: {  	s3 =	sld [smem:$0x3FFD];
	_ =	sdelay $0x3  }
0x96: {  	_ =	strace s3  }
0x97: {  	_ =	strace $0x8FFFFFFF  }
0x98: {  	s19 =	sld [smem:$0x3FDB];
	_ =	sdelay $0x1  }
0x99: {  	s4 =	simm.s32 $_scs_section_size  }
0x9a: {  	s5 =	simm.s32 $_size__tile_overlayer_lowered;
	s6 =	simm.s32 $_tile_overlayer_lowered  }
0x9b: {  	s22 =	simm.s32 $0x1BFF;
	s21 =	sshll.u32 s6, $0x1;
	s3 =	sadd.s32 s4, s19  }
0x9c: {  	s7 =	simm.s32 $0x0;
	s20 =	sshll.u32 s5, $0x1;
	s5 =	sadd.s32 s21, s3  }
0x9d: {  	[timem:s7], [sflag:s22] =	dma.local [hbm:s5], s20  }
0x9e: {  	_ =	swait.ge [sflag:s22], s20  }
0x9f: {  	s4 =	ssub.s32 $0x0, s20;
	[sflag:s22] =	ssyncset.done $0x0  }
0xa0: {  	[sflag:s22] =	ssyncadd.s32 s4;
	_ =	sdelay $0x1  }
0xa1: {  	s23 =	simm.s32 $0x1B8B  }
0xa2: {  	_ =	swait.ge [sflag:s23], $0x1  }
0xa3: {  	[sflag:s23] =	ssyncset.done $0x0  }
0xa4: {  	s25 =	simm.s32 $0x1B8E;
	s24 =	sld [smem:$0x3FFE];
	[sflag:s23] =	ssyncadd.s32 $0xFFFFFFFF  }
0xa5: {  	s26 =	simm.s32 $execute0_lowered;
	[smem:$0x3FD2] =	sst s25  }
0xa6: {  	s5 =	sshll.u32 s26, $0x1;
	_ =	strace $0x80000046;
	[dreg:$0x1] =	wrdreg $0xFFFFFFFF  }
0xa7: {  	s28 =	simm.s32 $_size_execute0_lowered;
	s3 =	sadd.s32 s3, s5;
	[dreg:$0x0] =	wrdreg $0x0  }
0xa8: {  	s5 =	sshll.u32 s28, $0x1;
	[dreg:$0x2] =	wrdreg s3  }
0xa9: {  	[dreg:$0x3] =	wrdreg s5  }
0xaa: {  	[dreg:$0x4] =	wrdreg $0xC0  }
0xab: {  	_ =	task [dreg:s7], $0x5FFFF  }
0xac: {  	[dreg:$0x1] =	wrdreg $0xFFFFFFFF  }
0xad: {  	[dreg:$0x0] =	wrdreg $0x60  }
0xae: {  	[dreg:$0x2] =	wrdreg s24  }
0xaf: {  	[dreg:$0x3] =	wrdreg s2  }
0xb0: {  	[dreg:$0x4] =	wrdreg $0x9  }
0xb1: {  	_ =	task.clear_ibuf [dreg:s7], $0x5FFFF;
	_ =	strace $0x90000046  }
0xb2: {  	s29 =	simm.s32 $0x9;
	_ =	strace $0x80000048  }
0xb3: {  	_ =	swait.ge [sflag:s29], $0x1  }
0xb4: {  	[sflag:s29] =	ssyncadd.s32 $0xFFFFFFFF  }
0xb5: {  	_ =	strace $0x90000048  }
0xb6: {  	_ =	sfence  }
0xb7: {  	s30 =	sld [smem:$0x0];
	_ =	sdelay $0x2  }
0xb8: {  	s31 =	sshll.u32 s1, $0xD;
	s1 =	sshrl.u32 s1, $0x2  }
0xb9: {  	s3 =	sand.u32 $0x4000, s31;
	s1 =	sadd.s32 s1, s30  }
0xba: {  	s0 =	sor.u32 s3, s0;
	s1 =	sshll.u32 s1, $0x11  }
0xbb: {  	s0 =	sor.u32 s1, s0  }
0xbc: {  	s0 =	sadd.s32 $0x8F2B, s0  }
0xbd: {  	[sflag:s0] =	ssyncadd.remote.s32 $0x1  }
0xbe: {  	_ =	sfence.sel $0xFFFF  }
0xbf: {  	[dreg:$0x0] =	wrdreg $0xFFFFFFFF;
	(pc) =	sbr.abs _section_cstart, $3  }
0xc0: {  	[dreg:$0x1] =	wrdreg $0xFFFFFFFF  }
0xc1: {  	_ =	task.clear_ibuf [dreg:s7], $0x2FFFF;
	_ =	strace $0x9FFFFFFF  }
0xc2: {  	(tm) =	ssettm $0x7FFFFFFF  }
0xc3: {  	_ =	shalt  }
tec
execute0_lowered:
.L_overlay_start_1:
0x0: {  	(tag) =	ssettag $0x1  }
0x1: {  	s1 =	srdreg.scid  }
0x2: {  	s0 =	stileid.u32;
	v1 =	vlaneseq.u32;
	s3 =	sand.u32 $0x1, s1  }
0x3: {  	s29 =	sshll.u32 s0, $0x7;
	v15 =	vmul.u32 $0x5, v1;
	s2 =	sshll.u32 s3, $0x6  }
0x4: {  	vm0 =	vmmov $0xffff;
	s5 =	sor.u32 s2, s29  }
0x5: {  	v16 =	vadd.s32 $0x1, v15;
	v17 =	vadd.s32 $0x2, v15;
	v0 =	vmov s5;
	s30 =	sor.u32 $0x20, s5;
	s7 =	sor.u32 $0x30, s5  }
0x6: {  	v0 =	vmul.u32 $0x5, v0;
	v5 =	vmov s30;
	v8 =	vmov s7  }
0x7: {  	v18 =	vadd.s32 $0x3, v15;
	s1 =	sor.u32 $0x10, s5;
	v7 =	vmul.u32 $0x5, v5;
	v12 =	vmul.u32 $0x5, v8  }
0x8: {  	v19 =	vadd.s32 $0x4, v15;
	v4 =	vbroadcast v0, $0x0;
	v0 =	vmov s1  }
0x9: {  	s4 =	rddreg [dreg:$0x0];
	v3 =	vmul.u32 $0x5, v0;
	v14 =	vbroadcast v7, $0x0;
	v20 =	vbroadcast v12, $0x0  }
0xa: {  	s6 =	rddreg [dreg:$0x1];
	s9 =	simm.s32 $0x7D40;
	v0 =	vadd.s32 v15, v4;
	v1 =	vadd.s32 v16, v4;
	v2 =	vadd.s32 v17, v4  }
0xb: {  	s10 =	simm.s32 $0x1;
	s11 =	simm.s32 $0x3;
	s12 =	simm.s32 $0x2;
	v9 =	vbroadcast v3, $0x0;
	v3 =	vadd.s32 v18, v4;
	v4 =	vadd.s32 v19, v4  }
0xc: {  	s13 =	simm.s32 $0x4;
	s31 =	ssub.s32 $0x2, s3;
	s3 =	sadd.s32 $0x400, s4;
	v10 =	vadd.s32 v15, v14;
	v11 =	vadd.s32 v16, v14;
	v12 =	vadd.s32 v17, v14  }
0xd: {  	s4 =	sadd.s32 $0xBEC200, s4;
	s2 =	simm.s32 $0x0;
	s8 =	sshrl.u32 s31, $0x1;
	v13 =	vadd.s32 v18, v14;
	v14 =	vadd.s32 v19, v14;
	v5 =	vadd.s32 v15, v9  }
0xe: {  	[smem:$0x7FF] =	sst s2;
	s5 =	sshrl.u32 s5, $0x3;
	s7 =	ssub.s32 s31, s8;
	v6 =	vadd.s32 v16, v9;
	v7 =	vadd.s32 v17, v9;
	v8 =	vadd.s32 v18, v9  }
0xf: {  	s5 =	sadd.s32 s6, s5;
	s8 =	simm.s32 $0x40;
	s6 =	smax.u32 s7, $0x1;
	v9 =	vadd.s32 v19, v9;
	v15 =	vadd.s32 v15, v20;
	v16 =	vadd.s32 v16, v20  }
0x10: {  	s7 =	simm.s32 $0x5;
	s1 =	rddreg [dreg:$0x2];
	_ =	strace $0x80000047;
	v17 =	vadd.s32 v17, v20;
	v18 =	vadd.s32 v18, v20;
	v19 =	vadd.s32 v19, v20  }
.LBB2_1:
0x11: {  	[tilespmem:s2], [sflag:$0x5] =	stream.linear.gather [hbm4b:s5+s2], $0x40, $0x38;
	[tilespmem:$0xFA40] =	vst v63  }
0x12: {  	_ =	swait.ge [sflag:s7], $0x40  }
0x13: {  	[sflag:s7] =	ssyncset.done $0x0  }
0x14: {  	[sflag:s7] =	ssyncadd.s32 $0xFFFFFFC0  }
0x15: {  	v20 =	vld [tilespmem:$0x0];
	_ =	sdelay $0x4  }
0x16: {  	v20 =	vmul.u32 $0x5, v20;
	_ =	sdelay $0x5  }
0x17: {  	[tilespmem:s8], [sflag:$0x1] =	stream.indirect_vreg.gather [hbm4b:s3+s2], $0x7D0, v20, vm0, $0xb8;
	[tilespmem:$0xFA40] =	vst v63  }
0x18: {  	v20 =	vld [tilespmem:$0x0];
	_ =	sdelay $0x4  }
0x19: {  	v20 =	vmul.u32 $0x5, v20;
	_ =	sdelay $0x1  }
0x1a: {  	v20 =	vadd.s32 $0x1, v20;
	_ =	sdelay $0x4  }
0x1b: {  	[tilespmem:s9], [sflag:$0x2] =	stream.indirect_vreg.gather [hbm4b:s3+s2], $0x7D0, v20, vm0, $0xb8;
	[tilespmem:$0xFA40] =	vst v63  }
0x1c: {  	_ =	swait.ge [sflag:s10], $0x7D00  }
0x1d: {  	[sflag:s10] =	ssyncset.done $0x0  }
0x1e: {  	[sflag:s10] =	ssyncadd.s32 $0xFFFF8300  }
0x1f: {  	[hbm4b:s4+s2] =	stream.indirect_vreg.scatter [tilespmem:s8], [sflag:$0x3], $0x7D0, v0, vm0, $0xb8;
	[tilespmem:$0xFA40] =	vst v63  }
0x20: {  	_ =	swait.ge [sflag:s11], $0x7D00  }
0x21: {  	[sflag:s11] =	ssyncset.done $0x0  }
0x22: {  	[sflag:s11] =	ssyncadd.s32 $0xFFFF8300  }
0x23: {  	v20 =	vld [tilespmem:$0x0];
	_ =	sdelay $0x4  }
0x24: {  	v20 =	vmul.u32 $0x5, v20;
	_ =	sdelay $0x1  }
0x25: {  	v20 =	vadd.s32 $0x2, v20;
	_ =	sdelay $0x4  }
0x26: {  	[tilespmem:s8], [sflag:$0x1] =	stream.indirect_vreg.gather [hbm4b:s3+s2], $0x7D0, v20, vm0, $0xb8;
	[tilespmem:$0xFA40] =	vst v63  }
0x27: {  	_ =	swait.ge [sflag:s12], $0x7D00  }
0x28: {  	[sflag:s12] =	ssyncset.done $0x0  }
0x29: {  	[sflag:s12] =	ssyncadd.s32 $0xFFFF8300  }
0x2a: {  	[hbm4b:s4+s2] =	stream.indirect_vreg.scatter [tilespmem:s9], [sflag:$0x4], $0x7D0, v1, vm0, $0xb8;
	[tilespmem:$0xFA40] =	vst v63  }
0x2b: {  	_ =	swait.ge [sflag:s13], $0x7D00  }
0x2c: {  	[sflag:s13] =	ssyncset.done $0x0  }
0x2d: {  	[sflag:s13] =	ssyncadd.s32 $0xFFFF8300  }
0x2e: {  	v20 =	vld [tilespmem:$0x0];
	_ =	sdelay $0x4  }
0x2f: {  	v20 =	vmul.u32 $0x5, v20;
	_ =	sdelay $0x1  }
0x30: {  	v20 =	vadd.s32 $0x3, v20;
	_ =	sdelay $0x4  }
0x31: {  	[tilespmem:s9], [sflag:$0x2] =	stream.indirect_vreg.gather [hbm4b:s3+s2], $0x7D0, v20, vm0, $0xb8;
	[tilespmem:$0xFA40] =	vst v63  }
0x32: {  	_ =	swait.ge [sflag:s10], $0x7D00  }
0x33: {  	[sflag:s10] =	ssyncset.done $0x0  }
0x34: {  	[sflag:s10] =	ssyncadd.s32 $0xFFFF8300  }
0x35: {  	[hbm4b:s4+s2] =	stream.indirect_vreg.scatter [tilespmem:s8], [sflag:$0x3], $0x7D0, v2, vm0, $0xb8;
	[tilespmem:$0xFA40] =	vst v63  }
0x36: {  	_ =	swait.ge [sflag:s11], $0x7D00  }
0x37: {  	[sflag:s11] =	ssyncset.done $0x0  }
0x38: {  	[sflag:s11] =	ssyncadd.s32 $0xFFFF8300  }
0x39: {  	v20 =	vld [tilespmem:$0x0];
	_ =	sdelay $0x4  }
0x3a: {  	v20 =	vmul.u32 $0x5, v20;
	_ =	sdelay $0x1  }
0x3b: {  	v20 =	vadd.s32 $0x4, v20;
	_ =	sdelay $0x4  }
0x3c: {  	[tilespmem:s8], [sflag:$0x1] =	stream.indirect_vreg.gather [hbm4b:s3+s2], $0x7D0, v20, vm0, $0xb8;
	[tilespmem:$0xFA40] =	vst v63  }
0x3d: {  	_ =	swait.ge [sflag:s12], $0x7D00  }
0x3e: {  	[sflag:s12] =	ssyncset.done $0x0  }
0x3f: {  	[sflag:s12] =	ssyncadd.s32 $0xFFFF8300  }
0x40: {  	[hbm4b:s4+s2] =	stream.indirect_vreg.scatter [tilespmem:s9], [sflag:$0x4], $0x7D0, v3, vm0, $0xb8;
	[tilespmem:$0xFA40] =	vst v63  }
0x41: {  	_ =	swait.ge [sflag:s13], $0x7D00  }
0x42: {  	[sflag:s13] =	ssyncset.done $0x0  }
0x43: {  	[sflag:s13] =	ssyncadd.s32 $0xFFFF8300  }
0x44: {  	v20 =	vld [tilespmem:$0x10];
	_ =	sdelay $0x4  }
0x45: {  	v20 =	vmul.u32 $0x5, v20;
	_ =	sdelay $0x5  }
0x46: {  	[tilespmem:s9], [sflag:$0x2] =	stream.indirect_vreg.gather [hbm4b:s3+s2], $0x7D0, v20, vm0, $0xb8;
	[tilespmem:$0xFA40] =	vst v63  }
0x47: {  	_ =	swait.ge [sflag:s10], $0x7D00  }
0x48: {  	[sflag:s10] =	ssyncset.done $0x0  }
0x49: {  	[sflag:s10] =	ssyncadd.s32 $0xFFFF8300  }
0x4a: {  	[hbm4b:s4+s2] =	stream.indirect_vreg.scatter [tilespmem:s8], [sflag:$0x3], $0x7D0, v4, vm0, $0xb8;
	[tilespmem:$0xFA40] =	vst v63  }
0x4b: {  	_ =	swait.ge [sflag:s11], $0x7D00  }
0x4c: {  	[sflag:s11] =	ssyncset.done $0x0  }
0x4d: {  	[sflag:s11] =	ssyncadd.s32 $0xFFFF8300  }
0x4e: {  	v20 =	vld [tilespmem:$0x10];
	_ =	sdelay $0x4  }
0x4f: {  	v20 =	vmul.u32 $0x5, v20;
	_ =	sdelay $0x1  }
0x50: {  	v20 =	vadd.s32 $0x1, v20;
	_ =	sdelay $0x4  }
0x51: {  	[tilespmem:s8], [sflag:$0x1] =	stream.indirect_vreg.gather [hbm4b:s3+s2], $0x7D0, v20, vm0, $0xb8;
	[tilespmem:$0xFA40] =	vst v63  }
0x52: {  	_ =	swait.ge [sflag:s12], $0x7D00  }
0x53: {  	[sflag:s12] =	ssyncset.done $0x0  }
0x54: {  	[sflag:s12] =	ssyncadd.s32 $0xFFFF8300  }
0x55: {  	[hbm4b:s4+s2] =	stream.indirect_vreg.scatter [tilespmem:s9], [sflag:$0x4], $0x7D0, v5, vm0, $0xb8;
	[tilespmem:$0xFA40] =	vst v63  }
0x56: {  	_ =	swait.ge [sflag:s13], $0x7D00  }
0x57: {  	[sflag:s13] =	ssyncset.done $0x0  }
0x58: {  	[sflag:s13] =	ssyncadd.s32 $0xFFFF8300  }
0x59: {  	v20 =	vld [tilespmem:$0x10];
	_ =	sdelay $0x4  }
0x5a: {  	v20 =	vmul.u32 $0x5, v20;
	_ =	sdelay $0x1  }
0x5b: {  	v20 =	vadd.s32 $0x2, v20;
	_ =	sdelay $0x4  }
0x5c: {  	[tilespmem:s9], [sflag:$0x2] =	stream.indirect_vreg.gather [hbm4b:s3+s2], $0x7D0, v20, vm0, $0xb8;
	[tilespmem:$0xFA40] =	vst v63  }
0x5d: {  	_ =	swait.ge [sflag:s10], $0x7D00  }
0x5e: {  	[sflag:s10] =	ssyncset.done $0x0  }
0x5f: {  	[sflag:s10] =	ssyncadd.s32 $0xFFFF8300  }
0x60: {  	[hbm4b:s4+s2] =	stream.indirect_vreg.scatter [tilespmem:s8], [sflag:$0x3], $0x7D0, v6, vm0, $0xb8;
	[tilespmem:$0xFA40] =	vst v63  }
0x61: {  	_ =	swait.ge [sflag:s11], $0x7D00  }
0x62: {  	[sflag:s11] =	ssyncset.done $0x0  }
0x63: {  	[sflag:s11] =	ssyncadd.s32 $0xFFFF8300  }
0x64: {  	v20 =	vld [tilespmem:$0x10];
	_ =	sdelay $0x4  }
0x65: {  	v20 =	vmul.u32 $0x5, v20;
	_ =	sdelay $0x1  }
0x66: {  	v20 =	vadd.s32 $0x3, v20;
	_ =	sdelay $0x4  }
0x67: {  	[tilespmem:s8], [sflag:$0x1] =	stream.indirect_vreg.gather [hbm4b:s3+s2], $0x7D0, v20, vm0, $0xb8;
	[tilespmem:$0xFA40] =	vst v63  }
0x68: {  	_ =	swait.ge [sflag:s12], $0x7D00  }
0x69: {  	[sflag:s12] =	ssyncset.done $0x0  }
0x6a: {  	[sflag:s12] =	ssyncadd.s32 $0xFFFF8300  }
0x6b: {  	[hbm4b:s4+s2] =	stream.indirect_vreg.scatter [tilespmem:s9], [sflag:$0x4], $0x7D0, v7, vm0, $0xb8;
	[tilespmem:$0xFA40] =	vst v63  }
0x6c: {  	_ =	swait.ge [sflag:s13], $0x7D00  }
0x6d: {  	[sflag:s13] =	ssyncset.done $0x0  }
0x6e: {  	[sflag:s13] =	ssyncadd.s32 $0xFFFF8300  }
0x6f: {  	v20 =	vld [tilespmem:$0x10];
	_ =	sdelay $0x4  }
0x70: {  	v20 =	vmul.u32 $0x5, v20;
	_ =	sdelay $0x1  }
0x71: {  	v20 =	vadd.s32 $0x4, v20;
	_ =	sdelay $0x4  }
0x72: {  	[tilespmem:s9], [sflag:$0x2] =	stream.indirect_vreg.gather [hbm4b:s3+s2], $0x7D0, v20, vm0, $0xb8;
	[tilespmem:$0xFA40] =	vst v63  }
0x73: {  	_ =	swait.ge [sflag:s10], $0x7D00  }
0x74: {  	[sflag:s10] =	ssyncset.done $0x0  }
0x75: {  	[sflag:s10] =	ssyncadd.s32 $0xFFFF8300  }
0x76: {  	[hbm4b:s4+s2] =	stream.indirect_vreg.scatter [tilespmem:s8], [sflag:$0x3], $0x7D0, v8, vm0, $0xb8;
	[tilespmem:$0xFA40] =	vst v63  }
0x77: {  	_ =	swait.ge [sflag:s11], $0x7D00  }
0x78: {  	[sflag:s11] =	ssyncset.done $0x0  }
0x79: {  	[sflag:s11] =	ssyncadd.s32 $0xFFFF8300  }
0x7a: {  	v20 =	vld [tilespmem:$0x20];
	_ =	sdelay $0x4  }
0x7b: {  	v20 =	vmul.u32 $0x5, v20;
	_ =	sdelay $0x5  }
0x7c: {  	[tilespmem:s8], [sflag:$0x1] =	stream.indirect_vreg.gather [hbm4b:s3+s2], $0x7D0, v20, vm0, $0xb8;
	[tilespmem:$0xFA40] =	vst v63  }
0x7d: {  	_ =	swait.ge [sflag:s12], $0x7D00  }
0x7e: {  	[sflag:s12] =	ssyncset.done $0x0  }
0x7f: {  	[sflag:s12] =	ssyncadd.s32 $0xFFFF8300  }
0x80: {  	[hbm4b:s4+s2] =	stream.indirect_vreg.scatter [tilespmem:s9], [sflag:$0x4], $0x7D0, v9, vm0, $0xb8;
	[tilespmem:$0xFA40] =	vst v63  }
0x81: {  	_ =	swait.ge [sflag:s13], $0x7D00  }
0x82: {  	[sflag:s13] =	ssyncset.done $0x0  }
0x83: {  	[sflag:s13] =	ssyncadd.s32 $0xFFFF8300  }
0x84: {  	v20 =	vld [tilespmem:$0x20];
	_ =	sdelay $0x4  }
0x85: {  	v20 =	vmul.u32 $0x5, v20;
	_ =	sdelay $0x1  }
0x86: {  	v20 =	vadd.s32 $0x1, v20;
	_ =	sdelay $0x4  }
0x87: {  	[tilespmem:s9], [sflag:$0x2] =	stream.indirect_vreg.gather [hbm4b:s3+s2], $0x7D0, v20, vm0, $0xb8;
	[tilespmem:$0xFA40] =	vst v63  }
0x88: {  	_ =	swait.ge [sflag:s10], $0x7D00  }
0x89: {  	[sflag:s10] =	ssyncset.done $0x0  }
0x8a: {  	[sflag:s10] =	ssyncadd.s32 $0xFFFF8300  }
0x8b: {  	[hbm4b:s4+s2] =	stream.indirect_vreg.scatter [tilespmem:s8], [sflag:$0x3], $0x7D0, v10, vm0, $0xb8;
	[tilespmem:$0xFA40] =	vst v63  }
0x8c: {  	_ =	swait.ge [sflag:s11], $0x7D00  }
0x8d: {  	[sflag:s11] =	ssyncset.done $0x0  }
0x8e: {  	[sflag:s11] =	ssyncadd.s32 $0xFFFF8300  }
0x8f: {  	v20 =	vld [tilespmem:$0x20];
	_ =	sdelay $0x4  }
0x90: {  	v20 =	vmul.u32 $0x5, v20;
	_ =	sdelay $0x1  }
0x91: {  	v20 =	vadd.s32 $0x2, v20;
	_ =	sdelay $0x4  }
0x92: {  	[tilespmem:s8], [sflag:$0x1] =	stream.indirect_vreg.gather [hbm4b:s3+s2], $0x7D0, v20, vm0, $0xb8;
	[tilespmem:$0xFA40] =	vst v63  }
0x93: {  	_ =	swait.ge [sflag:s12], $0x7D00  }
0x94: {  	[sflag:s12] =	ssyncset.done $0x0  }
0x95: {  	[sflag:s12] =	ssyncadd.s32 $0xFFFF8300  }
0x96: {  	[hbm4b:s4+s2] =	stream.indirect_vreg.scatter [tilespmem:s9], [sflag:$0x4], $0x7D0, v11, vm0, $0xb8;
	[tilespmem:$0xFA40] =	vst v63  }
0x97: {  	_ =	swait.ge [sflag:s13], $0x7D00  }
0x98: {  	[sflag:s13] =	ssyncset.done $0x0  }
0x99: {  	[sflag:s13] =	ssyncadd.s32 $0xFFFF8300  }
0x9a: {  	v20 =	vld [tilespmem:$0x20];
	_ =	sdelay $0x4  }
0x9b: {  	v20 =	vmul.u32 $0x5, v20;
	_ =	sdelay $0x1  }
0x9c: {  	v20 =	vadd.s32 $0x3, v20;
	_ =	sdelay $0x4  }
0x9d: {  	[tilespmem:s9], [sflag:$0x2] =	stream.indirect_vreg.gather [hbm4b:s3+s2], $0x7D0, v20, vm0, $0xb8;
	[tilespmem:$0xFA40] =	vst v63  }
0x9e: {  	_ =	swait.ge [sflag:s10], $0x7D00  }
0x9f: {  	[sflag:s10] =	ssyncset.done $0x0  }
0xa0: {  	[sflag:s10] =	ssyncadd.s32 $0xFFFF8300  }
0xa1: {  	[hbm4b:s4+s2] =	stream.indirect_vreg.scatter [tilespmem:s8], [sflag:$0x3], $0x7D0, v12, vm0, $0xb8;
	[tilespmem:$0xFA40] =	vst v63  }
0xa2: {  	_ =	swait.ge [sflag:s11], $0x7D00  }
0xa3: {  	[sflag:s11] =	ssyncset.done $0x0  }
0xa4: {  	[sflag:s11] =	ssyncadd.s32 $0xFFFF8300  }
0xa5: {  	v20 =	vld [tilespmem:$0x20];
	_ =	sdelay $0x4  }
0xa6: {  	v20 =	vmul.u32 $0x5, v20;
	_ =	sdelay $0x1  }
0xa7: {  	v20 =	vadd.s32 $0x4, v20;
	_ =	sdelay $0x4  }
0xa8: {  	[tilespmem:s8], [sflag:$0x1] =	stream.indirect_vreg.gather [hbm4b:s3+s2], $0x7D0, v20, vm0, $0xb8;
	[tilespmem:$0xFA40] =	vst v63  }
0xa9: {  	_ =	swait.ge [sflag:s12], $0x7D00  }
0xaa: {  	[sflag:s12] =	ssyncset.done $0x0  }
0xab: {  	[sflag:s12] =	ssyncadd.s32 $0xFFFF8300  }
0xac: {  	[hbm4b:s4+s2] =	stream.indirect_vreg.scatter [tilespmem:s9], [sflag:$0x4], $0x7D0, v13, vm0, $0xb8;
	[tilespmem:$0xFA40] =	vst v63  }
0xad: {  	_ =	swait.ge [sflag:s13], $0x7D00  }
0xae: {  	[sflag:s13] =	ssyncset.done $0x0  }
0xaf: {  	[sflag:s13] =	ssyncadd.s32 $0xFFFF8300  }
0xb0: {  	v20 =	vld [tilespmem:$0x30];
	_ =	sdelay $0x4  }
0xb1: {  	v20 =	vmul.u32 $0x5, v20;
	_ =	sdelay $0x5  }
0xb2: {  	[tilespmem:s9], [sflag:$0x2] =	stream.indirect_vreg.gather [hbm4b:s3+s2], $0x7D0, v20, vm0, $0xb8;
	[tilespmem:$0xFA40] =	vst v63  }
0xb3: {  	_ =	swait.ge [sflag:s10], $0x7D00  }
0xb4: {  	[sflag:s10] =	ssyncset.done $0x0  }
0xb5: {  	[sflag:s10] =	ssyncadd.s32 $0xFFFF8300  }
0xb6: {  	[hbm4b:s4+s2] =	stream.indirect_vreg.scatter [tilespmem:s8], [sflag:$0x3], $0x7D0, v14, vm0, $0xb8;
	[tilespmem:$0xFA40] =	vst v63  }
0xb7: {  	_ =	swait.ge [sflag:s11], $0x7D00  }
0xb8: {  	[sflag:s11] =	ssyncset.done $0x0  }
0xb9: {  	[sflag:s11] =	ssyncadd.s32 $0xFFFF8300  }
0xba: {  	v20 =	vld [tilespmem:$0x30];
	_ =	sdelay $0x4  }
0xbb: {  	v20 =	vmul.u32 $0x5, v20;
	_ =	sdelay $0x1  }
0xbc: {  	v20 =	vadd.s32 $0x1, v20;
	_ =	sdelay $0x4  }
0xbd: {  	[tilespmem:s8], [sflag:$0x1] =	stream.indirect_vreg.gather [hbm4b:s3+s2], $0x7D0, v20, vm0, $0xb8;
	[tilespmem:$0xFA40] =	vst v63  }
0xbe: {  	_ =	swait.ge [sflag:s12], $0x7D00  }
0xbf: {  	[sflag:s12] =	ssyncset.done $0x0  }
0xc0: {  	[sflag:s12] =	ssyncadd.s32 $0xFFFF8300  }
0xc1: {  	[hbm4b:s4+s2] =	stream.indirect_vreg.scatter [tilespmem:s9], [sflag:$0x4], $0x7D0, v15, vm0, $0xb8;
	[tilespmem:$0xFA40] =	vst v63  }
0xc2: {  	_ =	swait.ge [sflag:s13], $0x7D00  }
0xc3: {  	[sflag:s13] =	ssyncset.done $0x0  }
0xc4: {  	[sflag:s13] =	ssyncadd.s32 $0xFFFF8300  }
0xc5: {  	v20 =	vld [tilespmem:$0x30];
	_ =	sdelay $0x4  }
0xc6: {  	v20 =	vmul.u32 $0x5, v20;
	_ =	sdelay $0x1  }
0xc7: {  	v20 =	vadd.s32 $0x2, v20;
	_ =	sdelay $0x4  }
0xc8: {  	[tilespmem:s9], [sflag:$0x2] =	stream.indirect_vreg.gather [hbm4b:s3+s2], $0x7D0, v20, vm0, $0xb8;
	[tilespmem:$0xFA40] =	vst v63  }
0xc9: {  	_ =	swait.ge [sflag:s10], $0x7D00  }
0xca: {  	[sflag:s10] =	ssyncset.done $0x0  }
0xcb: {  	[sflag:s10] =	ssyncadd.s32 $0xFFFF8300  }
0xcc: {  	[hbm4b:s4+s2] =	stream.indirect_vreg.scatter [tilespmem:s8], [sflag:$0x3], $0x7D0, v16, vm0, $0xb8;
	[tilespmem:$0xFA40] =	vst v63  }
0xcd: {  	_ =	swait.ge [sflag:s11], $0x7D00  }
0xce: {  	[sflag:s11] =	ssyncset.done $0x0  }
0xcf: {  	[sflag:s11] =	ssyncadd.s32 $0xFFFF8300  }
0xd0: {  	v20 =	vld [tilespmem:$0x30];
	_ =	sdelay $0x4  }
0xd1: {  	v20 =	vmul.u32 $0x5, v20;
	_ =	sdelay $0x1  }
0xd2: {  	v20 =	vadd.s32 $0x3, v20;
	_ =	sdelay $0x4  }
0xd3: {  	[tilespmem:s8], [sflag:$0x1] =	stream.indirect_vreg.gather [hbm4b:s3+s2], $0x7D0, v20, vm0, $0xb8;
	[tilespmem:$0xFA40] =	vst v63  }
0xd4: {  	_ =	swait.ge [sflag:s12], $0x7D00  }
0xd5: {  	[sflag:s12] =	ssyncset.done $0x0  }
0xd6: {  	[sflag:s12] =	ssyncadd.s32 $0xFFFF8300  }
0xd7: {  	[hbm4b:s4+s2] =	stream.indirect_vreg.scatter [tilespmem:s9], [sflag:$0x4], $0x7D0, v17, vm0, $0xb8;
	[tilespmem:$0xFA40] =	vst v63  }
0xd8: {  	_ =	swait.ge [sflag:s13], $0x7D00  }
0xd9: {  	[sflag:s13] =	ssyncset.done $0x0  }
0xda: {  	[sflag:s13] =	ssyncadd.s32 $0xFFFF8300  }
0xdb: {  	v20 =	vld [tilespmem:$0x30];
	_ =	sdelay $0x4  }
0xdc: {  	v20 =	vmul.u32 $0x5, v20;
	_ =	sdelay $0x1  }
0xdd: {  	v20 =	vadd.s32 $0x4, v20;
	_ =	sdelay $0x4  }
0xde: {  	[tilespmem:s9], [sflag:$0x2] =	stream.indirect_vreg.gather [hbm4b:s3+s2], $0x7D0, v20, vm0, $0xb8;
	[tilespmem:$0xFA40] =	vst v63  }
0xdf: {  	_ =	swait.ge [sflag:s10], $0x7D00  }
0xe0: {  	[sflag:s10] =	ssyncset.done $0x0  }
0xe1: {  	[sflag:s10] =	ssyncadd.s32 $0xFFFF8300  }
0xe2: {  	[hbm4b:s4+s2] =	stream.indirect_vreg.scatter [tilespmem:s8], [sflag:$0x3], $0x7D0, v18, vm0, $0xb8;
	[tilespmem:$0xFA40] =	vst v63  }
0xe3: {  	_ =	swait.ge [sflag:s12], $0x7D00  }
0xe4: {  	[sflag:s12] =	ssyncset.done $0x0  }
0xe5: {  	[sflag:s12] =	ssyncadd.s32 $0xFFFF8300  }
0xe6: {  	[hbm4b:s4+s2] =	stream.indirect_vreg.scatter [tilespmem:s9], [sflag:$0x4], $0x7D0, v19, vm0, $0xb8;
	[tilespmem:$0xFA40] =	vst v63  }
0xe7: {  	p0 =	sne.s32 s6, $0x1;
	_ =	swait.ge [sflag:s11], $0x7D00  }
.Ltmp0:
0xe8: {  	[sflag:s11] =	ssyncset.done $0x0;
	(pc) =	sbr.rel @p0 .LBB2_1-.Ltmp0, $4  }
0xe9: {  	[sflag:s11] =	ssyncadd.s32 $0xFFFF8300  }
0xea: {  	_ =	swait.ge [sflag:s13], $0x7D00  }
0xeb: {  	[sflag:s13] =	ssyncset.done $0x0  }
0xec: {  	s6 =	sadd.s32 $0xFFFFFFFF, s6;
	[sflag:s13] =	ssyncadd.s32 $0xFFFF8300  }
0xed: {  	_ =	sfence.sel $0x180000  }
0xee: {  	[bflag:$0x0] =	sbarrier.arrive $0xFFFF  }
0xef: {  	p0 =	sne.s32 s0, $0x0;
	_ =	strace $0x90000047  }
0xf0: {  	s0 =	sadd.s32 @!p0 $0x100000, s1;
	[bflag:$0x2] =	sbarrier.arrive $0xFFFF  }
0xf1: {  	[sflag:s0] =	ssyncadd.tile.s32 @!p0 $0x1;
	_ =	shalt  }
.Lfunc_end2:
_tile_overlayer_lowered:
.L_overlay_start_2:
0xf2: {  	(tag) =	ssettag $0x2  }
0xf3: {  	s0 =	rddreg [dreg:$0x0];
	s2 =	stileid.u32  }
0xf4: {  	s1 =	rddreg [dreg:$0x1];
	p0 =	sne.s32 s2, $0x0  }
0xf5: {  	s3 =	rddreg [dreg:$0x2];
	[bflag:$0x3] =	sbarrier.arrive $0xFFFF;
	s2 =	simm.s32 @!p0 $0x1C05  }
0xf6: {  	[timem:s3], [sflag:s2] =	dma.local @!p0 [hbm:s0], s1  }
0xf7: {  	s0 =	simm.s32 @!p0 $0x5  }
0xf8: {  	_ =	swait.ge @!p0 [sflag:s0], s1  }
0xf9: {  	s1 =	ssub.s32 @!p0 $0x0, s1;
	[sflag:s0] =	ssyncset.done @!p0 $0x0  }
0xfa: {  	[sflag:s0] =	ssyncadd.s32 @!p0 s1  }
0xfb: {  	[bflag:$0x3] =	sbarrier.arrive $0xFFFF  }
0xfc: {  	_ =	shalt  }

</sc_bundles>
